<compile_context>
chip_gen: v7x
topology: tpu7x:2x2x1
jax: 0.10.2.dev20260603
libtpu: 0.0.44.dev20260713+nightly
codegen_flags: <defaults>
</compile_context>

<pallas_src>
import functools

import jax
import jax.numpy as jnp
from jax import lax
from jax.experimental import pallas as pl
from jax.experimental.pallas import tpu as pltpu
from jax.experimental.pallas import tpu_sc as plsc

N = 50000
NP = 50048
E = 800000
HH = 32
NT = 16
RPT = NP // NT
EPT = E // NT
CH = 200

@functools.cache
def _mesh():
    return plsc.VectorSubcoreMesh(core_axis_name="c", subcore_axis_name="s")



def _conv_scatter_body(u_hbm, srcd_hbm, dst_hbm, out_hbm, sidx, didx, rows,
                       accum, sem):
    c = lax.axis_index("c")
    s = lax.axis_index("s")
    rbase = s * RPT
    sidx_a, sidx_b = sidx
    didx_a, didx_b = didx
    rows_a, rows_b = rows
    sem_a, sem_b = sem
    pltpu.sync_copy(u_hbm.at[pl.ds(c * NP + rbase, RPT)],
                    accum.at[pl.ds(rbase, RPT)])
    plsc.subcore_barrier()
    ebase = s * EPT
    nch = EPT // CH

    def fire(k, sv, dv, sm):
        b = ebase + k * CH
        pltpu.sync_copy(srcd_hbm.at[pl.ds(c * E + b, CH)], sv)
        pltpu.sync_copy(dst_hbm.at[pl.ds(b, CH)], dv)
        return pltpu.async_copy(u_hbm.at[sv], rv_for(sv), sm)

    def rv_for(sv):
        return rows_a if sv is sidx_a else rows_b

    fire(0, sidx_a, didx_a, sem_a)

    def step(k, carry):
        fire(2 * k + 1, sidx_b, didx_b, sem_b)
        pltpu.make_async_copy(u_hbm.at[sidx_a], rows_a, sem_a).wait()
        pltpu.sync_copy(rows_a, accum.at[didx_a], add=True)

        @pl.when(k < nch // 2 - 1)
        def _():
            fire(2 * k + 2, sidx_a, didx_a, sem_a)

        pltpu.make_async_copy(u_hbm.at[sidx_b], rows_b, sem_b).wait()
        pltpu.sync_copy(rows_b, accum.at[didx_b], add=True)
        return carry

    lax.fori_loop(0, nch // 2, step, 0)
    plsc.subcore_barrier()
    pltpu.sync_copy(accum.at[pl.ds(rbase, RPT)],
                    out_hbm.at[pl.ds(c * NP + rbase, RPT)])


@functools.cache
def _conv_scatter_kernel():
    return pl.kernel(
        _conv_scatter_body,
        mesh=_mesh(),
        compiler_params=pltpu.CompilerParams(use_tc_tiling_on_sc=False),
        out_type=jax.ShapeDtypeStruct((2 * NP, HH), jnp.float32),
        scratch_types=[
            (pltpu.VMEM((CH,), jnp.int32), pltpu.VMEM((CH,), jnp.int32)),
            (pltpu.VMEM((CH,), jnp.int32), pltpu.VMEM((CH,), jnp.int32)),
            (pltpu.VMEM((CH, HH), jnp.float32),
             pltpu.VMEM((CH, HH), jnp.float32)),
            pltpu.VMEM_SHARED((NP, HH), jnp.float32),
            (pltpu.SemaphoreType.DMA, pltpu.SemaphoreType.DMA),
        ],
    )


def _conv_scatter(u, srcd, dst):
    return _conv_scatter_kernel()(u, srcd, dst)


def _edge_seg_body(r1_hbm, src_hbm, z_hbm, out_hbm, sidx, rows, accum, sem):
    c = lax.axis_index("c")
    s = lax.axis_index("s")
    rbase = s * RPT
    pltpu.sync_copy(z_hbm.at[pl.ds(rbase, RPT)], accum.at[pl.ds(rbase, RPT)])
    plsc.subcore_barrier()
    ebase = s * EPT

    def step(k, carry):
        b = ebase + k * CH
        pltpu.sync_copy(src_hbm.at[pl.ds(b, CH)], sidx)
        pltpu.async_copy(r1_hbm.at[pl.ds(c * E + b, CH)], rows, sem).wait()
        pltpu.sync_copy(rows, accum.at[sidx], add=True)
        return carry

    lax.fori_loop(0, EPT // CH, step, 0)
    plsc.subcore_barrier()
    pltpu.sync_copy(accum.at[pl.ds(rbase, RPT)],
                    out_hbm.at[pl.ds(c * NP + rbase, RPT)])


@functools.cache
def _edge_seg_kernel():
    return pl.kernel(
        _edge_seg_body,
        mesh=_mesh(),
        compiler_params=pltpu.CompilerParams(use_tc_tiling_on_sc=False),
        out_type=jax.ShapeDtypeStruct((2 * NP, HH), jnp.float32),
        scratch_types=[
            pltpu.VMEM((CH,), jnp.int32),
            pltpu.VMEM((CH, HH), jnp.float32),
            pltpu.VMEM_SHARED((NP, HH), jnp.float32),
            pltpu.SemaphoreType.DMA,
        ],
    )


def _edge_seg(r1, src, z):
    return _edge_seg_kernel()(r1, src, z)


def _counts_body(idx2_hbm, ones_hbm, z_hbm, out_hbm, didx, ones_v, accum, sem):
    c = lax.axis_index("c")
    s = lax.axis_index("s")
    rbase = s * RPT
    pltpu.sync_copy(ones_hbm, ones_v)
    pltpu.sync_copy(z_hbm.at[pl.ds(rbase, RPT)], accum.at[pl.ds(rbase, RPT)])
    plsc.subcore_barrier()
    ebase = s * EPT

    def step(i, carry):
        b = ebase + i * CH
        pltpu.sync_copy(idx2_hbm.at[pl.ds(c * E + b, CH)], didx)
        pltpu.sync_copy(ones_v, accum.at[didx], add=True)
        return carry

    lax.fori_loop(0, EPT // CH, step, 0)
    plsc.subcore_barrier()
    pltpu.sync_copy(accum.at[pl.ds(rbase, RPT)],
                    out_hbm.at[pl.ds(c * NP + rbase, RPT)])


@functools.cache
def _counts_kernel():
    return pl.kernel(
        _counts_body,
        mesh=_mesh(),
        compiler_params=pltpu.CompilerParams(use_tc_tiling_on_sc=False),
        out_type=jax.ShapeDtypeStruct((2 * NP, 16), jnp.float32),
        scratch_types=[
            pltpu.VMEM((CH,), jnp.int32),
            pltpu.VMEM((CH, 16), jnp.float32),
            pltpu.VMEM_SHARED((NP, 16), jnp.float32),
            pltpu.SemaphoreType.DMA,
        ],
    )


def _counts(idx2, ones16, z16):
    return _counts_kernel()(idx2, ones16, z16)



def _mm(a, b):
    return jnp.matmul(a, b, precision=jax.lax.Precision.HIGHEST)


_BN = 2176
_BE4 = 1000


def _tc1_body(x_ref, cnt_ref, wne1, bne1, wne2, bne2, wc1, u_out):
    dis = lax.rsqrt(cnt_ref[:, 0:1] + 1.0)
    h0 = jnp.maximum(_mm(x_ref[...], wne1[...]) + bne1[...], 0.0)
    h0 = _mm(h0, wne2[...]) + bne2[...]
    u = _mm(h0, wc1[...]) * dis
    u_out[...] = jnp.stack([u[:, :HH], u[:, HH:]], axis=0)


def _tc2_body(t1_ref, cnt_ref, bc1, wc2, u_out):
    dis = lax.rsqrt(cnt_ref[:, 0:1] + 1.0)
    t = jnp.concatenate([t1_ref[0], t1_ref[1]], axis=1)
    h1 = jnp.maximum(t * dis + bc1[...], 0.0)
    u = _mm(h1, wc2[...]) * dis
    u_out[...] = jnp.stack([u[:, :HH], u[:, HH:]], axis=0)


def _tce_body(ea4_ref, wbig, bbig, r_out):
    ea = ea4_ref[...]
    r0 = jnp.maximum(_mm(ea, wbig[0]) + bbig[0], 0.0)
    r1 = jnp.maximum(_mm(ea, wbig[1]) + bbig[1], 0.0)
    r_out[...] = jnp.stack([r0, r1], axis=0)


def _full_spec(shape):
    return pl.BlockSpec(shape, lambda i: tuple(0 for _ in shape))


def _tc1(x, cnt2, W_ne1, b_ne1, W_ne2, b_ne2, W_c1):
    nb = NP // _BN
    return pl.pallas_call(
        _tc1_body,
        grid=(nb,),
        in_specs=[
            pl.BlockSpec((_BN, 5), lambda i: (i, 0)),
            pl.BlockSpec((_BN, 16), lambda i: (i, 0)),
            _full_spec((5, 64)),
            _full_spec((1, 64)),
            _full_spec((64, 64)),
            _full_spec((1, 64)),
            _full_spec((64, 64)),
        ],
        out_specs=pl.BlockSpec((2, _BN, HH), lambda i: (0, i, 0)),
        out_shape=jax.ShapeDtypeStruct((2, NP, HH), jnp.float32),
    )(x, cnt2, W_ne1, b_ne1, W_ne2, b_ne2, W_c1)


def _tc2(t1, cnt2, b_c1, W_c2):
    nb = NP // _BN
    return pl.pallas_call(
        _tc2_body,
        grid=(nb,),
        in_specs=[
            pl.BlockSpec((2, _BN, HH), lambda i: (0, i, 0)),
            pl.BlockSpec((_BN, 16), lambda i: (i, 0)),
            _full_spec((1, 64)),
            _full_spec((64, 64)),
        ],
        out_specs=pl.BlockSpec((2, _BN, HH), lambda i: (0, i, 0)),
        out_shape=jax.ShapeDtypeStruct((2, NP, HH), jnp.float32),
    )(t1, cnt2, b_c1, W_c2)


def _tc3_real_body(t2_ref, cntd_ref, cnts_ref, s_ref, bc2, wee2, bee2, wh1,
                   bh1, wh2, bh2, o_ref):
    disd = lax.rsqrt(cntd_ref[:, 0:1] + 1.0)
    h2 = jnp.concatenate([t2_ref[0], t2_ref[1]], axis=1) * disd + bc2[...]
    csrc = cnts_ref[:, 0:1]
    s_sum = jnp.concatenate([s_ref[0], s_ref[1]], axis=1)
    m = s_sum / jnp.maximum(csrc, 1.0)
    ep = _mm(m, wee2[...]) + jnp.where(csrc > 0.0, 1.0, 0.0) * bee2[...]
    comb = jnp.concatenate([h2, ep], axis=1)
    o = _mm(jnp.maximum(_mm(comb, wh1[...]) + bh1[...], 0.0), wh2[...]) + bh2[...]
    o_ref[...] = o


def _tc3(t2, cnt2, s2, b_c2, W_ee2, b_ee2, W_h1, b_h1, W_h2, b_h2):
    nb = NP // _BN
    nblk = NP // _BN
    return pl.pallas_call(
        _tc3_real_body,
        grid=(nb,),
        in_specs=[
            pl.BlockSpec((2, _BN, HH), lambda i: (0, i, 0)),
            pl.BlockSpec((_BN, 16), lambda i: (i, 0)),
            pl.BlockSpec((_BN, 16), lambda i, _n=nblk: (i + _n, 0)),
            pl.BlockSpec((2, _BN, HH), lambda i: (0, i, 0)),
            _full_spec((1, 64)),
            _full_spec((64, 64)),
            _full_spec((1, 64)),
            _full_spec((128, 64)),
            _full_spec((1, 64)),
            _full_spec((64, 1)),
            _full_spec((1, 1)),
        ],
        out_specs=pl.BlockSpec((_BN, 1), lambda i: (i, 0)),
        out_shape=jax.ShapeDtypeStruct((NP, 1), jnp.float32),
    )(t2, cnt2, cnt2, s2, b_c2, W_ee2, b_ee2, W_h1, b_h1, W_h2, b_h2)


def _tce(ea4, wbig, bbig):
    nb = (E // 4) // _BE4
    return pl.pallas_call(
        _tce_body,
        grid=(nb,),
        in_specs=[
            pl.BlockSpec((_BE4, 16), lambda i: (i, 0)),
            _full_spec((2, 16, 128)),
            _full_spec((2, 1, 128)),
        ],
        out_specs=pl.BlockSpec((2, _BE4, 128), lambda i: (0, i, 0)),
        out_shape=jax.ShapeDtypeStruct((2, E // 4, 128), jnp.float32),
    )(ea4, wbig, bbig)



def kernel(x, edge_index, edge_attr, batch, W_ne1, b_ne1, W_ne2, b_ne2,
           W_c1, b_c1, W_c2, b_c2, W_ee1, b_ee1, W_ee2, b_ee2,
           W_h1, b_h1, W_h2, b_h2):
    src = edge_index[0].astype(jnp.int32)
    dst = edge_index[1].astype(jnp.int32)
    xp = jnp.pad(x, ((0, NP - N), (0, 0)))
    srcd = jnp.concatenate([src, src + NP])
    idx2 = jnp.concatenate([dst, src])
    ones16 = jnp.ones((CH, 16), jnp.float32)
    z16 = jnp.zeros((NP, 16), jnp.float32)
    z32 = jnp.zeros((NP, HH), jnp.float32)
    b_ne1r = b_ne1.reshape(1, 64)
    b_ne2r = b_ne2.reshape(1, 64)
    b_c1r = b_c1.reshape(1, 64)
    b_c2r = b_c2.reshape(1, 64)
    b_ee1r = b_ee1.reshape(1, 64)
    b_ee2r = b_ee2.reshape(1, 64)
    b_h1r = b_h1.reshape(1, 64)
    b_h2r = b_h2.reshape(1, 1)

    cnt2 = _counts(idx2, ones16, z16)
    ea4 = edge_attr.reshape(E // 4, 16)
    eye4 = jnp.eye(4, dtype=jnp.float32)
    wbig = jnp.stack([jnp.kron(eye4, W_ee1[:, :HH]),
                      jnp.kron(eye4, W_ee1[:, HH:])])
    bbig = jnp.stack([jnp.tile(b_ee1[:HH], 4),
                      jnp.tile(b_ee1[HH:], 4)]).reshape(2, 1, 128)
    r1 = _tce(ea4, wbig, bbig)
    s2 = _edge_seg(r1.reshape(2 * E, HH), src, z32)

    u1 = _tc1(xp, cnt2, W_ne1, b_ne1r, W_ne2, b_ne2r, W_c1)
    t1 = _conv_scatter(u1.reshape(2 * NP, HH), srcd, dst)
    u2 = _tc2(t1.reshape(2, NP, HH), cnt2, b_c1r, W_c2)
    t2 = _conv_scatter(u2.reshape(2 * NP, HH), srcd, dst)

    out = _tc3(t2.reshape(2, NP, HH), cnt2, s2.reshape(2, NP, HH),
               b_c2r, W_ee2, b_ee2r, W_h1, b_h1r, W_h2, b_h2r)
    return out[:N]

# --- scband reference (transcript-rebuilt; emitter-appended) ---
"""Pipeline reference for scband-supply-chain-gnn-30502857736434 (READ-ONLY COPY).

The authoritative reference and input builder live on the scoring server;
editing this copy changes nothing except your own understanding.
"""

import jax, jax.numpy as jnp
import numpy as np

N = 50000
E = 800000
D_NODE = 5
D_EDGE = 4
H = 64

def _gcn_conv(h, src, dst, W, b, n):
    loop = jnp.arange(n, dtype=src.dtype)
    s = jnp.concatenate([src, loop])
    d = jnp.concatenate([dst, loop])
    deg = jnp.zeros((n,), h.dtype).at[d].add(1.0)
    dis = jnp.where(deg > 0, deg ** -0.5, 0.0)
    norm = dis[s] * dis[d]
    m = (h @ W)[s] * norm[:, None]
    return jax.ops.segment_sum(m, d, num_segments=n) + b

def _gmp(feats, seg, n):
    s = jax.ops.segment_sum(feats, seg, num_segments=n)
    c = jax.ops.segment_sum(jnp.ones((feats.shape[0],), feats.dtype), seg, num_segments=n)
    return s / jnp.maximum(c, 1.0)[:, None]

def setup_inputs(seed: int = 0):
    key = jax.random.key(seed)
    ks = jax.random.split(key, 16)
    x = jax.random.normal(ks[0], (N, D_NODE), dtype=jnp.float32)
    edge_index = jax.random.randint(ks[1], (2, E), 0, N)
    edge_attr = jax.random.normal(ks[2], (E, D_EDGE), dtype=jnp.float32)
    batch = jnp.arange(N)
    def lin(k, fi, fo):
        return (jax.random.normal(k, (fi, fo), dtype=jnp.float32) / np.sqrt(fi)).astype(jnp.float32)
    return {
        'x': x, 'edge_index': edge_index, 'edge_attr': edge_attr, 'batch': batch,
        'W_ne1': lin(ks[3], D_NODE, H), 'b_ne1': jnp.zeros((H,), jnp.float32),
        'W_ne2': lin(ks[4], H, H), 'b_ne2': jnp.zeros((H,), jnp.float32),
        'W_c1': lin(ks[5], H, H), 'b_c1': jnp.zeros((H,), jnp.float32),
        'W_c2': lin(ks[6], H, H), 'b_c2': jnp.zeros((H,), jnp.float32),
        'W_ee1': lin(ks[7], D_EDGE, H), 'b_ee1': jnp.zeros((H,), jnp.float32),
        'W_ee2': lin(ks[8], H, H), 'b_ee2': jnp.zeros((H,), jnp.float32),
        'W_h1': lin(ks[9], 2 * H, H), 'b_h1': jnp.zeros((H,), jnp.float32),
        'W_h2': lin(ks[10], H, 1), 'b_h2': jnp.zeros((1,), jnp.float32),
    }

def reference(x, edge_index, edge_attr, batch, W_ne1, b_ne1, W_ne2, b_ne2, W_c1, b_c1, W_c2, b_c2, W_ee1, b_ee1, W_ee2, b_ee2, W_h1, b_h1, W_h2, b_h2):
    n = x.shape[0]
    src = edge_index[0]
    dst = edge_index[1]
    h = jax.nn.relu(x @ W_ne1 + b_ne1) @ W_ne2 + b_ne2
    h = jax.nn.relu(_gcn_conv(h, src, dst, W_c1, b_c1, n))
    h = _gcn_conv(h, src, dst, W_c2, b_c2, n)
    node_pool = _gmp(h, batch, n)
    ef = jax.nn.relu(edge_attr @ W_ee1 + b_ee1) @ W_ee2 + b_ee2
    edge_pool = _gmp(ef, src, n)
    combined = jnp.concatenate([node_pool, edge_pool], axis=1)
    out = jax.nn.relu(combined @ W_h1 + b_h1) @ W_h2 + b_h2
    return out

if __name__ == "__main__":
    import jax
    _d = setup_inputs()
    print(jax.jit(kernel)(*tuple(_d.values())))

</pallas_src>

<mosaic_0001>
#map = affine_map<(d0, d1) -> (0, 0)>
#map1 = affine_map<(d0, d1) -> (0)>
module attributes {stable_mosaic.version = 14 : i64} {
  func.func @_conv_scatter_body(%arg0: i32, %arg1: i32, %arg2: memref<100096x32xf32, #tpu.memory_space<hbm>>, %arg3: memref<1600000xi32, #tpu.memory_space<hbm>>, %arg4: memref<800000xi32, #tpu.memory_space<hbm>>, %arg5: memref<100096x32xf32, #tpu.memory_space<hbm>>, %arg6: memref<200xi32, #tpu.memory_space<vmem>>, %arg7: memref<200xi32, #tpu.memory_space<vmem>>, %arg8: memref<200xi32, #tpu.memory_space<vmem>>, %arg9: memref<200xi32, #tpu.memory_space<vmem>>, %arg10: memref<200x32xf32, #tpu.memory_space<vmem>>, %arg11: memref<200x32xf32, #tpu.memory_space<vmem>>, %arg12: memref<50048x32xf32, #tpu.memory_space<vmem_shared>>, %arg13: memref<!tpu.dma_semaphore, #tpu.memory_space<semaphore_mem>>, %arg14: memref<!tpu.dma_semaphore, #tpu.memory_space<semaphore_mem>>) attributes {dimension_semantics = [#tpu.dimension_semantics<core_parallel>, #tpu.dimension_semantics<subcore_parallel>], iteration_bounds = array<i64: 2, 16>, scalar_prefetch = 0 : i64, scratch_operands = 9 : i64, tpu.core_type = #tpu.core_type<sc_vector_subcore>, window_params = [{transform_indices = #map}, {transform_indices = #map1}, {transform_indices = #map1}, {transform_indices = #map}]} {
    %mul3A = arith.constant 3128 : i32
    %mul3A_0 = arith.muli %arg1, %mul3A : i32
    %mul3A_1 = arith.constant 50048 : i32
    %mul3A_2 = arith.muli %arg0, %mul3A_1 : i32
    %add3A = arith.addi %mul3A_2, %mul3A_0 : i32
    "tpu.region"() ({
      %run_scoped3A = tpu.sem_alloc : memref<!tpu.dma_semaphore, #tpu.memory_space<semaphore_mem>>
      %dma_start3A_21 = arith.constant 0 : i32
      %dma_start3A_22 = tpu.memref_slice %arg12[%mul3A_0, %dma_start3A_21] : memref<50048x32xf32, #tpu.memory_space<vmem_shared>> -> memref<3128x32xf32, #tpu.memory_space<vmem_shared>>
      %dma_start3A_23 = arith.constant 0 : i32
      %dma_start3A_24 = tpu.memref_slice %arg2[%add3A, %dma_start3A_23] : memref<100096x32xf32, #tpu.memory_space<hbm>> -> memref<3128x32xf32, #tpu.memory_space<hbm>>
      tpu.enqueue_dma source(%dma_start3A_24 : memref<3128x32xf32, #tpu.memory_space<hbm>>) target(%dma_start3A_22 : memref<3128x32xf32, #tpu.memory_space<vmem_shared>>) target_semaphore(%run_scoped3A : memref<!tpu.dma_semaphore, #tpu.memory_space<semaphore_mem>>)
      %dma_wait3A = arith.constant 0 : i32
      %dma_wait3A_25 = tpu.memref_slice %arg12[%mul3A_0, %dma_wait3A] : memref<50048x32xf32, #tpu.memory_space<vmem_shared>> -> memref<3128x32xf32, #tpu.memory_space<vmem_shared>>
      %dma_wait3A_26 = arith.constant 0 : i32
      %dma_wait3A_27 = tpu.memref_slice %arg2[%add3A, %dma_wait3A_26] : memref<100096x32xf32, #tpu.memory_space<hbm>> -> memref<3128x32xf32, #tpu.memory_space<hbm>>
      tpu.wait_dma2 semaphore(%run_scoped3A : memref<!tpu.dma_semaphore, #tpu.memory_space<semaphore_mem>>) src(%dma_wait3A_27 : memref<3128x32xf32, #tpu.memory_space<hbm>>) dst(%dma_wait3A_25 : memref<3128x32xf32, #tpu.memory_space<vmem_shared>>)
      tpu.yield
    }) : () -> ()
    %barrier3A = arith.constant 0 : index
    tpu.barrier barrier_id(%barrier3A)
    %mul3A_3 = arith.constant 50000 : i32
    %mul3A_4 = arith.muli %arg1, %mul3A_3 : i32
    %add3A_5 = arith.constant 0 : i32
    %add3A_6 = arith.addi %mul3A_4, %add3A_5 : i32
    %mul3A_7 = arith.constant 800000 : i32
    %mul3A_8 = arith.muli %arg0, %mul3A_7 : i32
    %add3A_9 = arith.addi %mul3A_8, %add3A_6 : i32
    "tpu.region"() ({
      %run_scoped3A = tpu.sem_alloc : memref<!tpu.dma_semaphore, #tpu.memory_space<semaphore_mem>>
      %dma_start3A_21 = tpu.memref_slice %arg3[%add3A_9] : memref<1600000xi32, #tpu.memory_space<hbm>> -> memref<200xi32, #tpu.memory_space<hbm>>
      %dma_start3A_22 = tpu.memref_slice %arg3[%add3A_9] : memref<1600000xi32, #tpu.memory_space<hbm>> -> memref<200xi32, #tpu.memory_space<hbm>>
      tpu.enqueue_dma source(%dma_start3A_22 : memref<200xi32, #tpu.memory_space<hbm>>) target(%arg6 : memref<200xi32, #tpu.memory_space<vmem>>) target_semaphore(%run_scoped3A : memref<!tpu.dma_semaphore, #tpu.memory_space<semaphore_mem>>)
      %dma_wait3A = tpu.memref_slice %arg3[%add3A_9] : memref<1600000xi32, #tpu.memory_space<hbm>> -> memref<200xi32, #tpu.memory_space<hbm>>
      %dma_wait3A_23 = tpu.memref_slice %arg3[%add3A_9] : memref<1600000xi32, #tpu.memory_space<hbm>> -> memref<200xi32, #tpu.memory_space<hbm>>
      tpu.wait_dma2 semaphore(%run_scoped3A : memref<!tpu.dma_semaphore, #tpu.memory_space<semaphore_mem>>) src(%dma_wait3A_23 : memref<200xi32, #tpu.memory_space<hbm>>) dst(%arg6 : memref<200xi32, #tpu.memory_space<vmem>>)
      tpu.yield
    }) : () -> ()
    "tpu.region"() ({
      %run_scoped3A = tpu.sem_alloc : memref<!tpu.dma_semaphore, #tpu.memory_space<semaphore_mem>>
      %dma_start3A_21 = tpu.memref_slice %arg4[%add3A_6] : memref<800000xi32, #tpu.memory_space<hbm>> -> memref<200xi32, #tpu.memory_space<hbm>>
      %dma_start3A_22 = tpu.memref_slice %arg4[%add3A_6] : memref<800000xi32, #tpu.memory_space<hbm>> -> memref<200xi32, #tpu.memory_space<hbm>>
      tpu.enqueue_dma source(%dma_start3A_22 : memref<200xi32, #tpu.memory_space<hbm>>) target(%arg8 : memref<200xi32, #tpu.memory_space<vmem>>) target_semaphore(%run_scoped3A : memref<!tpu.dma_semaphore, #tpu.memory_space<semaphore_mem>>)
      %dma_wait3A = tpu.memref_slice %arg4[%add3A_6] : memref<800000xi32, #tpu.memory_space<hbm>> -> memref<200xi32, #tpu.memory_space<hbm>>
      %dma_wait3A_23 = tpu.memref_slice %arg4[%add3A_6] : memref<800000xi32, #tpu.memory_space<hbm>> -> memref<200xi32, #tpu.memory_space<hbm>>
      tpu.wait_dma2 semaphore(%run_scoped3A : memref<!tpu.dma_semaphore, #tpu.memory_space<semaphore_mem>>) src(%dma_wait3A_23 : memref<200xi32, #tpu.memory_space<hbm>>) dst(%arg8 : memref<200xi32, #tpu.memory_space<vmem>>)
      tpu.yield
    }) : () -> ()
    %dma_start3A = arith.constant 0 : i32
    %dma_start3A_10 = arith.constant 0 : i32
    %dma_start3A_11 = tpu.memref_slice %arg2[%dma_start3A, %dma_start3A_10] : memref<100096x32xf32, #tpu.memory_space<hbm>> -> memref<100096x32xf32, #tpu.memory_space<hbm>>
    tpu.enqueue_indirect_dma source(%dma_start3A_11 : memref<100096x32xf32, #tpu.memory_space<hbm>>) target(%arg10 : memref<200x32xf32, #tpu.memory_space<vmem>>) offsets(%arg6 : memref<200xi32, #tpu.memory_space<vmem>>) semaphore(%arg13 : memref<!tpu.dma_semaphore, #tpu.memory_space<semaphore_mem>>)
    %scan3A = arith.constant 0 : i32
    %scan3A_12 = arith.constant 0 : i32
    %scan3A_13 = arith.constant 125 : i32
    %scan3A_14 = arith.addi %scan3A_12, %scan3A_13 : i32
    %scan3A_15 = arith.constant 1 : i32
    scf.for %scan3A_21 = %scan3A_12 to %scan3A_14 step %scan3A_15  : i32 {
      %mul3A_22 = arith.constant 2 : i32
      %mul3A_23 = arith.muli %mul3A_22, %scan3A_21 : i32
      %add3A_24 = arith.constant 1 : i32
      %add3A_25 = arith.addi %mul3A_23, %add3A_24 : i32
      %mul3A_26 = arith.constant 200 : i32
      %mul3A_27 = arith.muli %add3A_25, %mul3A_26 : i32
      %add3A_28 = arith.addi %mul3A_4, %mul3A_27 : i32
      %mul3A_29 = arith.constant 800000 : i32
      %mul3A_30 = arith.muli %arg0, %mul3A_29 : i32
      %add3A_31 = arith.addi %mul3A_30, %add3A_28 : i32
      "tpu.region"() ({
        %run_scoped3A = tpu.sem_alloc : memref<!tpu.dma_semaphore, #tpu.memory_space<semaphore_mem>>
        %dma_start3A_42 = tpu.memref_slice %arg3[%add3A_31] : memref<1600000xi32, #tpu.memory_space<hbm>> -> memref<200xi32, #tpu.memory_space<hbm>>
        %dma_start3A_43 = tpu.memref_slice %arg3[%add3A_31] : memref<1600000xi32, #tpu.memory_space<hbm>> -> memref<200xi32, #tpu.memory_space<hbm>>
        tpu.enqueue_dma source(%dma_start3A_43 : memref<200xi32, #tpu.memory_space<hbm>>) target(%arg7 : memref<200xi32, #tpu.memory_space<vmem>>) target_semaphore(%run_scoped3A : memref<!tpu.dma_semaphore, #tpu.memory_space<semaphore_mem>>)
        %dma_wait3A_44 = tpu.memref_slice %arg3[%add3A_31] : memref<1600000xi32, #tpu.memory_space<hbm>> -> memref<200xi32, #tpu.memory_space<hbm>>
        %dma_wait3A_45 = tpu.memref_slice %arg3[%add3A_31] : memref<1600000xi32, #tpu.memory_space<hbm>> -> memref<200xi32, #tpu.memory_space<hbm>>
        tpu.wait_dma2 semaphore(%run_scoped3A : memref<!tpu.dma_semaphore, #tpu.memory_space<semaphore_mem>>) src(%dma_wait3A_45 : memref<200xi32, #tpu.memory_space<hbm>>) dst(%arg7 : memref<200xi32, #tpu.memory_space<vmem>>)
        tpu.yield
      }) : () -> ()
      "tpu.region"() ({
        %run_scoped3A = tpu.sem_alloc : memref<!tpu.dma_semaphore, #tpu.memory_space<semaphore_mem>>
        %dma_start3A_42 = tpu.memref_slice %arg4[%add3A_28] : memref<800000xi32, #tpu.memory_space<hbm>> -> memref<200xi32, #tpu.memory_space<hbm>>
        %dma_start3A_43 = tpu.memref_slice %arg4[%add3A_28] : memref<800000xi32, #tpu.memory_space<hbm>> -> memref<200xi32, #tpu.memory_space<hbm>>
        tpu.enqueue_dma source(%dma_start3A_43 : memref<200xi32, #tpu.memory_space<hbm>>) target(%arg9 : memref<200xi32, #tpu.memory_space<vmem>>) target_semaphore(%run_scoped3A : memref<!tpu.dma_semaphore, #tpu.memory_space<semaphore_mem>>)
        %dma_wait3A_44 = tpu.memref_slice %arg4[%add3A_28] : memref<800000xi32, #tpu.memory_space<hbm>> -> memref<200xi32, #tpu.memory_space<hbm>>
        %dma_wait3A_45 = tpu.memref_slice %arg4[%add3A_28] : memref<800000xi32, #tpu.memory_space<hbm>> -> memref<200xi32, #tpu.memory_space<hbm>>
        tpu.wait_dma2 semaphore(%run_scoped3A : memref<!tpu.dma_semaphore, #tpu.memory_space<semaphore_mem>>) src(%dma_wait3A_45 : memref<200xi32, #tpu.memory_space<hbm>>) dst(%arg9 : memref<200xi32, #tpu.memory_space<vmem>>)
        tpu.yield
      }) : () -> ()
      %dma_start3A_32 = arith.constant 0 : i32
      %dma_start3A_33 = arith.constant 0 : i32
      %dma_start3A_34 = tpu.memref_slice %arg2[%dma_start3A_32, %dma_start3A_33] : memref<100096x32xf32, #tpu.memory_space<hbm>> -> memref<100096x32xf32, #tpu.memory_space<hbm>>
      tpu.enqueue_indirect_dma source(%dma_start3A_34 : memref<100096x32xf32, #tpu.memory_space<hbm>>) target(%arg11 : memref<200x32xf32, #tpu.memory_space<vmem>>) offsets(%arg7 : memref<200xi32, #tpu.memory_space<vmem>>) semaphore(%arg14 : memref<!tpu.dma_semaphore, #tpu.memory_space<semaphore_mem>>)
      %dma_wait3A = arith.constant 0 : i32
      %dma_wait3A_35 = arith.constant 0 : i32
      %dma_wait3A_36 = tpu.memref_slice %arg2[%dma_wait3A, %dma_wait3A_35] : memref<100096x32xf32, #tpu.memory_space<hbm>> -> memref<100096x32xf32, #tpu.memory_space<hbm>>
      tpu.wait_indirect_dma semaphore(%arg13 : memref<!tpu.dma_semaphore, #tpu.memory_space<semaphore_mem>>) src(%dma_wait3A_36 : memref<100096x32xf32, #tpu.memory_space<hbm>>) dst(%arg10 : memref<200x32xf32, #tpu.memory_space<vmem>>)
      "tpu.region"() ({
        %run_scoped3A = tpu.sem_alloc : memref<!tpu.dma_semaphore, #tpu.memory_space<semaphore_mem>>
        %dma_start3A_42 = arith.constant 0 : i32
        %dma_start3A_43 = arith.constant 0 : i32
        %dma_start3A_44 = tpu.memref_slice %arg12[%dma_start3A_42, %dma_start3A_43] : memref<50048x32xf32, #tpu.memory_space<vmem_shared>> -> memref<50048x32xf32, #tpu.memory_space<vmem_shared>>
        tpu.enqueue_indirect_dma source(%arg10 : memref<200x32xf32, #tpu.memory_space<vmem>>) target(%dma_start3A_44 : memref<50048x32xf32, #tpu.memory_space<vmem_shared>>) offsets(%arg8 : memref<200xi32, #tpu.memory_space<vmem>>) semaphore(%run_scoped3A : memref<!tpu.dma_semaphore, #tpu.memory_space<semaphore_mem>>) {add = true}
        %dma_wait3A_45 = arith.constant 0 : i32
        %dma_wait3A_46 = arith.constant 0 : i32
        %dma_wait3A_47 = tpu.memref_slice %arg12[%dma_wait3A_45, %dma_wait3A_46] : memref<50048x32xf32, #tpu.memory_space<vmem_shared>> -> memref<50048x32xf32, #tpu.memory_space<vmem_shared>>
        tpu.wait_indirect_dma semaphore(%run_scoped3A : memref<!tpu.dma_semaphore, #tpu.memory_space<semaphore_mem>>) src(%arg10 : memref<200x32xf32, #tpu.memory_space<vmem>>) dst(%dma_wait3A_47 : memref<50048x32xf32, #tpu.memory_space<vmem_shared>>)
        tpu.yield
      }) : () -> ()
      %lt3A = arith.constant 124 : i32
      %lt3A_37 = arith.cmpi slt, %scan3A_21, %lt3A : i32
      %convert_element_type3A = arith.extui %lt3A_37 : i1 to i32
      %cond3A = arith.constant 0 : i32
      %cond3A_38 = arith.cmpi ne, %convert_element_type3A, %cond3A : i32
      scf.if %cond3A_38 {
        %mul3A_42 = arith.constant 2 : i32
        %mul3A_43 = arith.muli %mul3A_42, %scan3A_21 : i32
        %add3A_44 = arith.constant 2 : i32
        %add3A_45 = arith.addi %mul3A_43, %add3A_44 : i32
        %mul3A_46 = arith.constant 200 : i32
        %mul3A_47 = arith.muli %add3A_45, %mul3A_46 : i32
        %add3A_48 = arith.addi %mul3A_4, %mul3A_47 : i32
        %mul3A_49 = arith.constant 800000 : i32
        %mul3A_50 = arith.muli %arg0, %mul3A_49 : i32
        %add3A_51 = arith.addi %mul3A_50, %add3A_48 : i32
        "tpu.region"() ({
          %run_scoped3A = tpu.sem_alloc : memref<!tpu.dma_semaphore, #tpu.memory_space<semaphore_mem>>
          %dma_start3A_55 = tpu.memref_slice %arg3[%add3A_51] : memref<1600000xi32, #tpu.memory_space<hbm>> -> memref<200xi32, #tpu.memory_space<hbm>>
          %dma_start3A_56 = tpu.memref_slice %arg3[%add3A_51] : memref<1600000xi32, #tpu.memory_space<hbm>> -> memref<200xi32, #tpu.memory_space<hbm>>
          tpu.enqueue_dma source(%dma_start3A_56 : memref<200xi32, #tpu.memory_space<hbm>>) target(%arg6 : memref<200xi32, #tpu.memory_space<vmem>>) target_semaphore(%run_scoped3A : memref<!tpu.dma_semaphore, #tpu.memory_space<semaphore_mem>>)
          %dma_wait3A_57 = tpu.memref_slice %arg3[%add3A_51] : memref<1600000xi32, #tpu.memory_space<hbm>> -> memref<200xi32, #tpu.memory_space<hbm>>
          %dma_wait3A_58 = tpu.memref_slice %arg3[%add3A_51] : memref<1600000xi32, #tpu.memory_space<hbm>> -> memref<200xi32, #tpu.memory_space<hbm>>
          tpu.wait_dma2 semaphore(%run_scoped3A : memref<!tpu.dma_semaphore, #tpu.memory_space<semaphore_mem>>) src(%dma_wait3A_58 : memref<200xi32, #tpu.memory_space<hbm>>) dst(%arg6 : memref<200xi32, #tpu.memory_space<vmem>>)
          tpu.yield
        }) : () -> ()
        "tpu.region"() ({
          %run_scoped3A = tpu.sem_alloc : memref<!tpu.dma_semaphore, #tpu.memory_space<semaphore_mem>>
          %dma_start3A_55 = tpu.memref_slice %arg4[%add3A_48] : memref<800000xi32, #tpu.memory_space<hbm>> -> memref<200xi32, #tpu.memory_space<hbm>>
          %dma_start3A_56 = tpu.memref_slice %arg4[%add3A_48] : memref<800000xi32, #tpu.memory_space<hbm>> -> memref<200xi32, #tpu.memory_space<hbm>>
          tpu.enqueue_dma source(%dma_start3A_56 : memref<200xi32, #tpu.memory_space<hbm>>) target(%arg8 : memref<200xi32, #tpu.memory_space<vmem>>) target_semaphore(%run_scoped3A : memref<!tpu.dma_semaphore, #tpu.memory_space<semaphore_mem>>)
          %dma_wait3A_57 = tpu.memref_slice %arg4[%add3A_48] : memref<800000xi32, #tpu.memory_space<hbm>> -> memref<200xi32, #tpu.memory_space<hbm>>
          %dma_wait3A_58 = tpu.memref_slice %arg4[%add3A_48] : memref<800000xi32, #tpu.memory_space<hbm>> -> memref<200xi32, #tpu.memory_space<hbm>>
          tpu.wait_dma2 semaphore(%run_scoped3A : memref<!tpu.dma_semaphore, #tpu.memory_space<semaphore_mem>>) src(%dma_wait3A_58 : memref<200xi32, #tpu.memory_space<hbm>>) dst(%arg8 : memref<200xi32, #tpu.memory_space<vmem>>)
          tpu.yield
        }) : () -> ()
        %dma_start3A_52 = arith.constant 0 : i32
        %dma_start3A_53 = arith.constant 0 : i32
        %dma_start3A_54 = tpu.memref_slice %arg2[%dma_start3A_52, %dma_start3A_53] : memref<100096x32xf32, #tpu.memory_space<hbm>> -> memref<100096x32xf32, #tpu.memory_space<hbm>>
        tpu.enqueue_indirect_dma source(%dma_start3A_54 : memref<100096x32xf32, #tpu.memory_space<hbm>>) target(%arg10 : memref<200x32xf32, #tpu.memory_space<vmem>>) offsets(%arg6 : memref<200xi32, #tpu.memory_space<vmem>>) semaphore(%arg13 : memref<!tpu.dma_semaphore, #tpu.memory_space<semaphore_mem>>)
      } else {
      }
      %dma_wait3A_39 = arith.constant 0 : i32
      %dma_wait3A_40 = arith.constant 0 : i32
      %dma_wait3A_41 = tpu.memref_slice %arg2[%dma_wait3A_39, %dma_wait3A_40] : memref<100096x32xf32, #tpu.memory_space<hbm>> -> memref<100096x32xf32, #tpu.memory_space<hbm>>
      tpu.wait_indirect_dma semaphore(%arg14 : memref<!tpu.dma_semaphore, #tpu.memory_space<semaphore_mem>>) src(%dma_wait3A_41 : memref<100096x32xf32, #tpu.memory_space<hbm>>) dst(%arg11 : memref<200x32xf32, #tpu.memory_space<vmem>>)
      "tpu.region"() ({
        %run_scoped3A = tpu.sem_alloc : memref<!tpu.dma_semaphore, #tpu.memory_space<semaphore_mem>>
        %dma_start3A_42 = arith.constant 0 : i32
        %dma_start3A_43 = arith.constant 0 : i32
        %dma_start3A_44 = tpu.memref_slice %arg12[%dma_start3A_42, %dma_start3A_43] : memref<50048x32xf32, #tpu.memory_space<vmem_shared>> -> memref<50048x32xf32, #tpu.memory_space<vmem_shared>>
        tpu.enqueue_indirect_dma source(%arg11 : memref<200x32xf32, #tpu.memory_space<vmem>>) target(%dma_start3A_44 : memref<50048x32xf32, #tpu.memory_space<vmem_shared>>) offsets(%arg9 : memref<200xi32, #tpu.memory_space<vmem>>) semaphore(%run_scoped3A : memref<!tpu.dma_semaphore, #tpu.memory_space<semaphore_mem>>) {add = true}
        %dma_wait3A_45 = arith.constant 0 : i32
        %dma_wait3A_46 = arith.constant 0 : i32
        %dma_wait3A_47 = tpu.memref_slice %arg12[%dma_wait3A_45, %dma_wait3A_46] : memref<50048x32xf32, #tpu.memory_space<vmem_shared>> -> memref<50048x32xf32, #tpu.memory_space<vmem_shared>>
        tpu.wait_indirect_dma semaphore(%run_scoped3A : memref<!tpu.dma_semaphore, #tpu.memory_space<semaphore_mem>>) src(%arg11 : memref<200x32xf32, #tpu.memory_space<vmem>>) dst(%dma_wait3A_47 : memref<50048x32xf32, #tpu.memory_space<vmem_shared>>)
        tpu.yield
      }) : () -> ()
    }
    %scan3A_16 = arith.constant 125 : i32
    %barrier3A_17 = arith.constant 0 : index
    tpu.barrier barrier_id(%barrier3A_17)
    %mul3A_18 = arith.constant 50048 : i32
    %mul3A_19 = arith.muli %arg0, %mul3A_18 : i32
    %add3A_20 = arith.addi %mul3A_19, %mul3A_0 : i32
    "tpu.region"() ({
      %run_scoped3A = tpu.sem_alloc : memref<!tpu.dma_semaphore, #tpu.memory_space<semaphore_mem>>
      %dma_start3A_21 = arith.constant 0 : i32
      %dma_start3A_22 = tpu.memref_slice %arg5[%add3A_20, %dma_start3A_21] : memref<100096x32xf32, #tpu.memory_space<hbm>> -> memref<3128x32xf32, #tpu.memory_space<hbm>>
      %dma_start3A_23 = arith.constant 0 : i32
      %dma_start3A_24 = tpu.memref_slice %arg12[%mul3A_0, %dma_start3A_23] : memref<50048x32xf32, #tpu.memory_space<vmem_shared>> -> memref<3128x32xf32, #tpu.memory_space<vmem_shared>>
      tpu.enqueue_dma source(%dma_start3A_24 : memref<3128x32xf32, #tpu.memory_space<vmem_shared>>) target(%dma_start3A_22 : memref<3128x32xf32, #tpu.memory_space<hbm>>) target_semaphore(%run_scoped3A : memref<!tpu.dma_semaphore, #tpu.memory_space<semaphore_mem>>)
      %dma_wait3A = arith.constant 0 : i32
      %dma_wait3A_25 = tpu.memref_slice %arg5[%add3A_20, %dma_wait3A] : memref<100096x32xf32, #tpu.memory_space<hbm>> -> memref<3128x32xf32, #tpu.memory_space<hbm>>
      %dma_wait3A_26 = arith.constant 0 : i32
      %dma_wait3A_27 = tpu.memref_slice %arg12[%mul3A_0, %dma_wait3A_26] : memref<50048x32xf32, #tpu.memory_space<vmem_shared>> -> memref<3128x32xf32, #tpu.memory_space<vmem_shared>>
      tpu.wait_dma2 semaphore(%run_scoped3A : memref<!tpu.dma_semaphore, #tpu.memory_space<semaphore_mem>>) src(%dma_wait3A_27 : memref<3128x32xf32, #tpu.memory_space<vmem_shared>>) dst(%dma_wait3A_25 : memref<3128x32xf32, #tpu.memory_space<hbm>>)
      tpu.yield
    }) : () -> ()
    return
  }
}

#map = affine_map<(d0, d1) -> (0)>
#map1 = affine_map<(d0, d1) -> (0, 0)>
module attributes {stable_mosaic.version = 14 : i64} {
  func.func @_counts_body(%arg0: i32, %arg1: i32, %arg2: memref<1600000xi32, #tpu.memory_space<hbm>>, %arg3: memref<200x16xf32, #tpu.memory_space<hbm>>, %arg4: memref<50048x16xf32, #tpu.memory_space<hbm>>, %arg5: memref<100096x16xf32, #tpu.memory_space<hbm>>, %arg6: memref<200xi32, #tpu.memory_space<vmem>>, %arg7: memref<200x16xf32, #tpu.memory_space<vmem>>, %arg8: memref<50048x16xf32, #tpu.memory_space<vmem_shared>>, %arg9: memref<!tpu.dma_semaphore, #tpu.memory_space<semaphore_mem>>) attributes {dimension_semantics = [#tpu.dimension_semantics<core_parallel>, #tpu.dimension_semantics<subcore_parallel>], iteration_bounds = array<i64: 2, 16>, scalar_prefetch = 0 : i64, scratch_operands = 4 : i64, tpu.core_type = #tpu.core_type<sc_vector_subcore>, window_params = [{transform_indices = #map}, {transform_indices = #map1}, {transform_indices = #map1}, {transform_indices = #map1}]} {
    %mul3A = arith.constant 3128 : i32
    %mul3A_0 = arith.muli %arg1, %mul3A : i32
    "tpu.region"() ({
      %run_scoped3A = tpu.sem_alloc : memref<!tpu.dma_semaphore, #tpu.memory_space<semaphore_mem>>
      tpu.enqueue_dma source(%arg3 : memref<200x16xf32, #tpu.memory_space<hbm>>) target(%arg7 : memref<200x16xf32, #tpu.memory_space<vmem>>) target_semaphore(%run_scoped3A : memref<!tpu.dma_semaphore, #tpu.memory_space<semaphore_mem>>)
      tpu.wait_dma2 semaphore(%run_scoped3A : memref<!tpu.dma_semaphore, #tpu.memory_space<semaphore_mem>>) src(%arg3 : memref<200x16xf32, #tpu.memory_space<hbm>>) dst(%arg7 : memref<200x16xf32, #tpu.memory_space<vmem>>)
      tpu.yield
    }) : () -> ()
    "tpu.region"() ({
      %run_scoped3A = tpu.sem_alloc : memref<!tpu.dma_semaphore, #tpu.memory_space<semaphore_mem>>
      %dma_start3A = arith.constant 0 : i32
      %dma_start3A_11 = tpu.memref_slice %arg8[%mul3A_0, %dma_start3A] : memref<50048x16xf32, #tpu.memory_space<vmem_shared>> -> memref<3128x16xf32, #tpu.memory_space<vmem_shared>>
      %dma_start3A_12 = arith.constant 0 : i32
      %dma_start3A_13 = tpu.memref_slice %arg4[%mul3A_0, %dma_start3A_12] : memref<50048x16xf32, #tpu.memory_space<hbm>> -> memref<3128x16xf32, #tpu.memory_space<hbm>>
      tpu.enqueue_dma source(%dma_start3A_13 : memref<3128x16xf32, #tpu.memory_space<hbm>>) target(%dma_start3A_11 : memref<3128x16xf32, #tpu.memory_space<vmem_shared>>) target_semaphore(%run_scoped3A : memref<!tpu.dma_semaphore, #tpu.memory_space<semaphore_mem>>)
      %dma_wait3A = arith.constant 0 : i32
      %dma_wait3A_14 = tpu.memref_slice %arg8[%mul3A_0, %dma_wait3A] : memref<50048x16xf32, #tpu.memory_space<vmem_shared>> -> memref<3128x16xf32, #tpu.memory_space<vmem_shared>>
      %dma_wait3A_15 = arith.constant 0 : i32
      %dma_wait3A_16 = tpu.memref_slice %arg4[%mul3A_0, %dma_wait3A_15] : memref<50048x16xf32, #tpu.memory_space<hbm>> -> memref<3128x16xf32, #tpu.memory_space<hbm>>
      tpu.wait_dma2 semaphore(%run_scoped3A : memref<!tpu.dma_semaphore, #tpu.memory_space<semaphore_mem>>) src(%dma_wait3A_16 : memref<3128x16xf32, #tpu.memory_space<hbm>>) dst(%dma_wait3A_14 : memref<3128x16xf32, #tpu.memory_space<vmem_shared>>)
      tpu.yield
    }) : () -> ()
    %barrier3A = arith.constant 0 : index
    tpu.barrier barrier_id(%barrier3A)
    %mul3A_1 = arith.constant 50000 : i32
    %mul3A_2 = arith.muli %arg1, %mul3A_1 : i32
    %scan3A = arith.constant 0 : i32
    %scan3A_3 = arith.constant 0 : i32
    %scan3A_4 = arith.constant 250 : i32
    %scan3A_5 = arith.addi %scan3A_3, %scan3A_4 : i32
    %scan3A_6 = arith.constant 1 : i32
    scf.for %scan3A_11 = %scan3A_3 to %scan3A_5 step %scan3A_6  : i32 {
      %mul3A_12 = arith.constant 200 : i32
      %mul3A_13 = arith.muli %scan3A_11, %mul3A_12 : i32
      %add3A_14 = arith.addi %mul3A_2, %mul3A_13 : i32
      %mul3A_15 = arith.constant 800000 : i32
      %mul3A_16 = arith.muli %arg0, %mul3A_15 : i32
      %add3A_17 = arith.addi %mul3A_16, %add3A_14 : i32
      "tpu.region"() ({
        %run_scoped3A = tpu.sem_alloc : memref<!tpu.dma_semaphore, #tpu.memory_space<semaphore_mem>>
        %dma_start3A = tpu.memref_slice %arg2[%add3A_17] : memref<1600000xi32, #tpu.memory_space<hbm>> -> memref<200xi32, #tpu.memory_space<hbm>>
        %dma_start3A_18 = tpu.memref_slice %arg2[%add3A_17] : memref<1600000xi32, #tpu.memory_space<hbm>> -> memref<200xi32, #tpu.memory_space<hbm>>
        tpu.enqueue_dma source(%dma_start3A_18 : memref<200xi32, #tpu.memory_space<hbm>>) target(%arg6 : memref<200xi32, #tpu.memory_space<vmem>>) target_semaphore(%run_scoped3A : memref<!tpu.dma_semaphore, #tpu.memory_space<semaphore_mem>>)
        %dma_wait3A = tpu.memref_slice %arg2[%add3A_17] : memref<1600000xi32, #tpu.memory_space<hbm>> -> memref<200xi32, #tpu.memory_space<hbm>>
        %dma_wait3A_19 = tpu.memref_slice %arg2[%add3A_17] : memref<1600000xi32, #tpu.memory_space<hbm>> -> memref<200xi32, #tpu.memory_space<hbm>>
        tpu.wait_dma2 semaphore(%run_scoped3A : memref<!tpu.dma_semaphore, #tpu.memory_space<semaphore_mem>>) src(%dma_wait3A_19 : memref<200xi32, #tpu.memory_space<hbm>>) dst(%arg6 : memref<200xi32, #tpu.memory_space<vmem>>)
        tpu.yield
      }) : () -> ()
      "tpu.region"() ({
        %run_scoped3A = tpu.sem_alloc : memref<!tpu.dma_semaphore, #tpu.memory_space<semaphore_mem>>
        %dma_start3A = arith.constant 0 : i32
        %dma_start3A_18 = arith.constant 0 : i32
        %dma_start3A_19 = tpu.memref_slice %arg8[%dma_start3A, %dma_start3A_18] : memref<50048x16xf32, #tpu.memory_space<vmem_shared>> -> memref<50048x16xf32, #tpu.memory_space<vmem_shared>>
        tpu.enqueue_indirect_dma source(%arg7 : memref<200x16xf32, #tpu.memory_space<vmem>>) target(%dma_start3A_19 : memref<50048x16xf32, #tpu.memory_space<vmem_shared>>) offsets(%arg6 : memref<200xi32, #tpu.memory_space<vmem>>) semaphore(%run_scoped3A : memref<!tpu.dma_semaphore, #tpu.memory_space<semaphore_mem>>) {add = true}
        %dma_wait3A = arith.constant 0 : i32
        %dma_wait3A_20 = arith.constant 0 : i32
        %dma_wait3A_21 = tpu.memref_slice %arg8[%dma_wait3A, %dma_wait3A_20] : memref<50048x16xf32, #tpu.memory_space<vmem_shared>> -> memref<50048x16xf32, #tpu.memory_space<vmem_shared>>
        tpu.wait_indirect_dma semaphore(%run_scoped3A : memref<!tpu.dma_semaphore, #tpu.memory_space<semaphore_mem>>) src(%arg7 : memref<200x16xf32, #tpu.memory_space<vmem>>) dst(%dma_wait3A_21 : memref<50048x16xf32, #tpu.memory_space<vmem_shared>>)
        tpu.yield
      }) : () -> ()
    }
    %scan3A_7 = arith.constant 250 : i32
    %barrier3A_8 = arith.constant 0 : index
    tpu.barrier barrier_id(%barrier3A_8)
    %mul3A_9 = arith.constant 50048 : i32
    %mul3A_10 = arith.muli %arg0, %mul3A_9 : i32
    %add3A = arith.addi %mul3A_10, %mul3A_0 : i32
    "tpu.region"() ({
      %run_scoped3A = tpu.sem_alloc : memref<!tpu.dma_semaphore, #tpu.memory_space<semaphore_mem>>
      %dma_start3A = arith.constant 0 : i32
      %dma_start3A_11 = tpu.memref_slice %arg5[%add3A, %dma_start3A] : memref<100096x16xf32, #tpu.memory_space<hbm>> -> memref<3128x16xf32, #tpu.memory_space<hbm>>
      %dma_start3A_12 = arith.constant 0 : i32
      %dma_start3A_13 = tpu.memref_slice %arg8[%mul3A_0, %dma_start3A_12] : memref<50048x16xf32, #tpu.memory_space<vmem_shared>> -> memref<3128x16xf32, #tpu.memory_space<vmem_shared>>
      tpu.enqueue_dma source(%dma_start3A_13 : memref<3128x16xf32, #tpu.memory_space<vmem_shared>>) target(%dma_start3A_11 : memref<3128x16xf32, #tpu.memory_space<hbm>>) target_semaphore(%run_scoped3A : memref<!tpu.dma_semaphore, #tpu.memory_space<semaphore_mem>>)
      %dma_wait3A = arith.constant 0 : i32
      %dma_wait3A_14 = tpu.memref_slice %arg5[%add3A, %dma_wait3A] : memref<100096x16xf32, #tpu.memory_space<hbm>> -> memref<3128x16xf32, #tpu.memory_space<hbm>>
      %dma_wait3A_15 = arith.constant 0 : i32
      %dma_wait3A_16 = tpu.memref_slice %arg8[%mul3A_0, %dma_wait3A_15] : memref<50048x16xf32, #tpu.memory_space<vmem_shared>> -> memref<3128x16xf32, #tpu.memory_space<vmem_shared>>
      tpu.wait_dma2 semaphore(%run_scoped3A : memref<!tpu.dma_semaphore, #tpu.memory_space<semaphore_mem>>) src(%dma_wait3A_16 : memref<3128x16xf32, #tpu.memory_space<vmem_shared>>) dst(%dma_wait3A_14 : memref<3128x16xf32, #tpu.memory_space<hbm>>)
      tpu.yield
    }) : () -> ()
    return
  }
}

#map = affine_map<(d0, d1) -> (0, 0)>
#map1 = affine_map<(d0, d1) -> (0)>
module attributes {stable_mosaic.version = 14 : i64} {
  func.func @_edge_seg_body(%arg0: i32, %arg1: i32, %arg2: memref<1600000x32xf32, #tpu.memory_space<hbm>>, %arg3: memref<800000xi32, #tpu.memory_space<hbm>>, %arg4: memref<50048x32xf32, #tpu.memory_space<hbm>>, %arg5: memref<100096x32xf32, #tpu.memory_space<hbm>>, %arg6: memref<200xi32, #tpu.memory_space<vmem>>, %arg7: memref<200x32xf32, #tpu.memory_space<vmem>>, %arg8: memref<50048x32xf32, #tpu.memory_space<vmem_shared>>, %arg9: memref<!tpu.dma_semaphore, #tpu.memory_space<semaphore_mem>>) attributes {dimension_semantics = [#tpu.dimension_semantics<core_parallel>, #tpu.dimension_semantics<subcore_parallel>], iteration_bounds = array<i64: 2, 16>, scalar_prefetch = 0 : i64, scratch_operands = 4 : i64, tpu.core_type = #tpu.core_type<sc_vector_subcore>, window_params = [{transform_indices = #map}, {transform_indices = #map1}, {transform_indices = #map}, {transform_indices = #map}]} {
    %mul3A = arith.constant 3128 : i32
    %mul3A_0 = arith.muli %arg1, %mul3A : i32
    "tpu.region"() ({
      %run_scoped3A = tpu.sem_alloc : memref<!tpu.dma_semaphore, #tpu.memory_space<semaphore_mem>>
      %dma_start3A = arith.constant 0 : i32
      %dma_start3A_11 = tpu.memref_slice %arg8[%mul3A_0, %dma_start3A] : memref<50048x32xf32, #tpu.memory_space<vmem_shared>> -> memref<3128x32xf32, #tpu.memory_space<vmem_shared>>
      %dma_start3A_12 = arith.constant 0 : i32
      %dma_start3A_13 = tpu.memref_slice %arg4[%mul3A_0, %dma_start3A_12] : memref<50048x32xf32, #tpu.memory_space<hbm>> -> memref<3128x32xf32, #tpu.memory_space<hbm>>
      tpu.enqueue_dma source(%dma_start3A_13 : memref<3128x32xf32, #tpu.memory_space<hbm>>) target(%dma_start3A_11 : memref<3128x32xf32, #tpu.memory_space<vmem_shared>>) target_semaphore(%run_scoped3A : memref<!tpu.dma_semaphore, #tpu.memory_space<semaphore_mem>>)
      %dma_wait3A = arith.constant 0 : i32
      %dma_wait3A_14 = tpu.memref_slice %arg8[%mul3A_0, %dma_wait3A] : memref<50048x32xf32, #tpu.memory_space<vmem_shared>> -> memref<3128x32xf32, #tpu.memory_space<vmem_shared>>
      %dma_wait3A_15 = arith.constant 0 : i32
      %dma_wait3A_16 = tpu.memref_slice %arg4[%mul3A_0, %dma_wait3A_15] : memref<50048x32xf32, #tpu.memory_space<hbm>> -> memref<3128x32xf32, #tpu.memory_space<hbm>>
      tpu.wait_dma2 semaphore(%run_scoped3A : memref<!tpu.dma_semaphore, #tpu.memory_space<semaphore_mem>>) src(%dma_wait3A_16 : memref<3128x32xf32, #tpu.memory_space<hbm>>) dst(%dma_wait3A_14 : memref<3128x32xf32, #tpu.memory_space<vmem_shared>>)
      tpu.yield
    }) : () -> ()
    %barrier3A = arith.constant 0 : index
    tpu.barrier barrier_id(%barrier3A)
    %mul3A_1 = arith.constant 50000 : i32
    %mul3A_2 = arith.muli %arg1, %mul3A_1 : i32
    %scan3A = arith.constant 0 : i32
    %scan3A_3 = arith.constant 0 : i32
    %scan3A_4 = arith.constant 250 : i32
    %scan3A_5 = arith.addi %scan3A_3, %scan3A_4 : i32
    %scan3A_6 = arith.constant 1 : i32
    scf.for %scan3A_11 = %scan3A_3 to %scan3A_5 step %scan3A_6  : i32 {
      %mul3A_12 = arith.constant 200 : i32
      %mul3A_13 = arith.muli %scan3A_11, %mul3A_12 : i32
      %add3A_14 = arith.addi %mul3A_2, %mul3A_13 : i32
      "tpu.region"() ({
        %run_scoped3A = tpu.sem_alloc : memref<!tpu.dma_semaphore, #tpu.memory_space<semaphore_mem>>
        %dma_start3A_24 = tpu.memref_slice %arg3[%add3A_14] : memref<800000xi32, #tpu.memory_space<hbm>> -> memref<200xi32, #tpu.memory_space<hbm>>
        %dma_start3A_25 = tpu.memref_slice %arg3[%add3A_14] : memref<800000xi32, #tpu.memory_space<hbm>> -> memref<200xi32, #tpu.memory_space<hbm>>
        tpu.enqueue_dma source(%dma_start3A_25 : memref<200xi32, #tpu.memory_space<hbm>>) target(%arg6 : memref<200xi32, #tpu.memory_space<vmem>>) target_semaphore(%run_scoped3A : memref<!tpu.dma_semaphore, #tpu.memory_space<semaphore_mem>>)
        %dma_wait3A_26 = tpu.memref_slice %arg3[%add3A_14] : memref<800000xi32, #tpu.memory_space<hbm>> -> memref<200xi32, #tpu.memory_space<hbm>>
        %dma_wait3A_27 = tpu.memref_slice %arg3[%add3A_14] : memref<800000xi32, #tpu.memory_space<hbm>> -> memref<200xi32, #tpu.memory_space<hbm>>
        tpu.wait_dma2 semaphore(%run_scoped3A : memref<!tpu.dma_semaphore, #tpu.memory_space<semaphore_mem>>) src(%dma_wait3A_27 : memref<200xi32, #tpu.memory_space<hbm>>) dst(%arg6 : memref<200xi32, #tpu.memory_space<vmem>>)
        tpu.yield
      }) : () -> ()
      %mul3A_15 = arith.constant 800000 : i32
      %mul3A_16 = arith.muli %arg0, %mul3A_15 : i32
      %add3A_17 = arith.addi %mul3A_16, %add3A_14 : i32
      %dma_start3A = arith.constant 0 : i32
      %dma_start3A_18 = tpu.memref_slice %arg2[%add3A_17, %dma_start3A] : memref<1600000x32xf32, #tpu.memory_space<hbm>> -> memref<200x32xf32, #tpu.memory_space<hbm>>
      %dma_start3A_19 = arith.constant 0 : i32
      %dma_start3A_20 = tpu.memref_slice %arg2[%add3A_17, %dma_start3A_19] : memref<1600000x32xf32, #tpu.memory_space<hbm>> -> memref<200x32xf32, #tpu.memory_space<hbm>>
      tpu.enqueue_dma source(%dma_start3A_20 : memref<200x32xf32, #tpu.memory_space<hbm>>) target(%arg7 : memref<200x32xf32, #tpu.memory_space<vmem>>) target_semaphore(%arg9 : memref<!tpu.dma_semaphore, #tpu.memory_space<semaphore_mem>>)
      %dma_wait3A = arith.constant 0 : i32
      %dma_wait3A_21 = tpu.memref_slice %arg2[%add3A_17, %dma_wait3A] : memref<1600000x32xf32, #tpu.memory_space<hbm>> -> memref<200x32xf32, #tpu.memory_space<hbm>>
      %dma_wait3A_22 = arith.constant 0 : i32
      %dma_wait3A_23 = tpu.memref_slice %arg2[%add3A_17, %dma_wait3A_22] : memref<1600000x32xf32, #tpu.memory_space<hbm>> -> memref<200x32xf32, #tpu.memory_space<hbm>>
      tpu.wait_dma2 semaphore(%arg9 : memref<!tpu.dma_semaphore, #tpu.memory_space<semaphore_mem>>) src(%dma_wait3A_23 : memref<200x32xf32, #tpu.memory_space<hbm>>) dst(%arg7 : memref<200x32xf32, #tpu.memory_space<vmem>>)
      "tpu.region"() ({
        %run_scoped3A = tpu.sem_alloc : memref<!tpu.dma_semaphore, #tpu.memory_space<semaphore_mem>>
        %dma_start3A_24 = arith.constant 0 : i32
        %dma_start3A_25 = arith.constant 0 : i32
        %dma_start3A_26 = tpu.memref_slice %arg8[%dma_start3A_24, %dma_start3A_25] : memref<50048x32xf32, #tpu.memory_space<vmem_shared>> -> memref<50048x32xf32, #tpu.memory_space<vmem_shared>>
        tpu.enqueue_indirect_dma source(%arg7 : memref<200x32xf32, #tpu.memory_space<vmem>>) target(%dma_start3A_26 : memref<50048x32xf32, #tpu.memory_space<vmem_shared>>) offsets(%arg6 : memref<200xi32, #tpu.memory_space<vmem>>) semaphore(%run_scoped3A : memref<!tpu.dma_semaphore, #tpu.memory_space<semaphore_mem>>) {add = true}
        %dma_wait3A_27 = arith.constant 0 : i32
        %dma_wait3A_28 = arith.constant 0 : i32
        %dma_wait3A_29 = tpu.memref_slice %arg8[%dma_wait3A_27, %dma_wait3A_28] : memref<50048x32xf32, #tpu.memory_space<vmem_shared>> -> memref<50048x32xf32, #tpu.memory_space<vmem_shared>>
        tpu.wait_indirect_dma semaphore(%run_scoped3A : memref<!tpu.dma_semaphore, #tpu.memory_space<semaphore_mem>>) src(%arg7 : memref<200x32xf32, #tpu.memory_space<vmem>>) dst(%dma_wait3A_29 : memref<50048x32xf32, #tpu.memory_space<vmem_shared>>)
        tpu.yield
      }) : () -> ()
    }
    %scan3A_7 = arith.constant 250 : i32
    %barrier3A_8 = arith.constant 0 : index
    tpu.barrier barrier_id(%barrier3A_8)
    %mul3A_9 = arith.constant 50048 : i32
    %mul3A_10 = arith.muli %arg0, %mul3A_9 : i32
    %add3A = arith.addi %mul3A_10, %mul3A_0 : i32
    "tpu.region"() ({
      %run_scoped3A = tpu.sem_alloc : memref<!tpu.dma_semaphore, #tpu.memory_space<semaphore_mem>>
      %dma_start3A = arith.constant 0 : i32
      %dma_start3A_11 = tpu.memref_slice %arg5[%add3A, %dma_start3A] : memref<100096x32xf32, #tpu.memory_space<hbm>> -> memref<3128x32xf32, #tpu.memory_space<hbm>>
      %dma_start3A_12 = arith.constant 0 : i32
      %dma_start3A_13 = tpu.memref_slice %arg8[%mul3A_0, %dma_start3A_12] : memref<50048x32xf32, #tpu.memory_space<vmem_shared>> -> memref<3128x32xf32, #tpu.memory_space<vmem_shared>>
      tpu.enqueue_dma source(%dma_start3A_13 : memref<3128x32xf32, #tpu.memory_space<vmem_shared>>) target(%dma_start3A_11 : memref<3128x32xf32, #tpu.memory_space<hbm>>) target_semaphore(%run_scoped3A : memref<!tpu.dma_semaphore, #tpu.memory_space<semaphore_mem>>)
      %dma_wait3A = arith.constant 0 : i32
      %dma_wait3A_14 = tpu.memref_slice %arg5[%add3A, %dma_wait3A] : memref<100096x32xf32, #tpu.memory_space<hbm>> -> memref<3128x32xf32, #tpu.memory_space<hbm>>
      %dma_wait3A_15 = arith.constant 0 : i32
      %dma_wait3A_16 = tpu.memref_slice %arg8[%mul3A_0, %dma_wait3A_15] : memref<50048x32xf32, #tpu.memory_space<vmem_shared>> -> memref<3128x32xf32, #tpu.memory_space<vmem_shared>>
      tpu.wait_dma2 semaphore(%run_scoped3A : memref<!tpu.dma_semaphore, #tpu.memory_space<semaphore_mem>>) src(%dma_wait3A_16 : memref<3128x32xf32, #tpu.memory_space<vmem_shared>>) dst(%dma_wait3A_14 : memref<3128x32xf32, #tpu.memory_space<hbm>>)
      tpu.yield
    }) : () -> ()
    return
  }
}

#map = affine_map<(d0, d1) -> (0, 0)>
#map1 = affine_map<(d0, d1) -> (0)>
module attributes {stable_mosaic.version = 14 : i64} {
  func.func @_conv_scatter_body(%arg0: i32, %arg1: i32, %arg2: memref<100096x32xf32, #tpu.memory_space<hbm>>, %arg3: memref<1600000xi32, #tpu.memory_space<hbm>>, %arg4: memref<800000xi32, #tpu.memory_space<hbm>>, %arg5: memref<100096x32xf32, #tpu.memory_space<hbm>>, %arg6: memref<200xi32, #tpu.memory_space<vmem>>, %arg7: memref<200xi32, #tpu.memory_space<vmem>>, %arg8: memref<200xi32, #tpu.memory_space<vmem>>, %arg9: memref<200xi32, #tpu.memory_space<vmem>>, %arg10: memref<200x32xf32, #tpu.memory_space<vmem>>, %arg11: memref<200x32xf32, #tpu.memory_space<vmem>>, %arg12: memref<50048x32xf32, #tpu.memory_space<vmem_shared>>, %arg13: memref<!tpu.dma_semaphore, #tpu.memory_space<semaphore_mem>>, %arg14: memref<!tpu.dma_semaphore, #tpu.memory_space<semaphore_mem>>) attributes {dimension_semantics = [#tpu.dimension_semantics<core_parallel>, #tpu.dimension_semantics<subcore_parallel>], iteration_bounds = array<i64: 2, 16>, scalar_prefetch = 0 : i64, scratch_operands = 9 : i64, tpu.core_type = #tpu.core_type<sc_vector_subcore>, window_params = [{transform_indices = #map}, {transform_indices = #map1}, {transform_indices = #map1}, {transform_indices = #map}]} {
    %mul3A = arith.constant 3128 : i32
    %mul3A_0 = arith.muli %arg1, %mul3A : i32
    %mul3A_1 = arith.constant 50048 : i32
    %mul3A_2 = arith.muli %arg0, %mul3A_1 : i32
    %add3A = arith.addi %mul3A_2, %mul3A_0 : i32
    "tpu.region"() ({
      %run_scoped3A = tpu.sem_alloc : memref<!tpu.dma_semaphore, #tpu.memory_space<semaphore_mem>>
      %dma_start3A_21 = arith.constant 0 : i32
      %dma_start3A_22 = tpu.memref_slice %arg12[%mul3A_0, %dma_start3A_21] : memref<50048x32xf32, #tpu.memory_space<vmem_shared>> -> memref<3128x32xf32, #tpu.memory_space<vmem_shared>>
      %dma_start3A_23 = arith.constant 0 : i32
      %dma_start3A_24 = tpu.memref_slice %arg2[%add3A, %dma_start3A_23] : memref<100096x32xf32, #tpu.memory_space<hbm>> -> memref<3128x32xf32, #tpu.memory_space<hbm>>
      tpu.enqueue_dma source(%dma_start3A_24 : memref<3128x32xf32, #tpu.memory_space<hbm>>) target(%dma_start3A_22 : memref<3128x32xf32, #tpu.memory_space<vmem_shared>>) target_semaphore(%run_scoped3A : memref<!tpu.dma_semaphore, #tpu.memory_space<semaphore_mem>>)
      %dma_wait3A = arith.constant 0 : i32
      %dma_wait3A_25 = tpu.memref_slice %arg12[%mul3A_0, %dma_wait3A] : memref<50048x32xf32, #tpu.memory_space<vmem_shared>> -> memref<3128x32xf32, #tpu.memory_space<vmem_shared>>
      %dma_wait3A_26 = arith.constant 0 : i32
      %dma_wait3A_27 = tpu.memref_slice %arg2[%add3A, %dma_wait3A_26] : memref<100096x32xf32, #tpu.memory_space<hbm>> -> memref<3128x32xf32, #tpu.memory_space<hbm>>
      tpu.wait_dma2 semaphore(%run_scoped3A : memref<!tpu.dma_semaphore, #tpu.memory_space<semaphore_mem>>) src(%dma_wait3A_27 : memref<3128x32xf32, #tpu.memory_space<hbm>>) dst(%dma_wait3A_25 : memref<3128x32xf32, #tpu.memory_space<vmem_shared>>)
      tpu.yield
    }) : () -> ()
    %barrier3A = arith.constant 0 : index
    tpu.barrier barrier_id(%barrier3A)
    %mul3A_3 = arith.constant 50000 : i32
    %mul3A_4 = arith.muli %arg1, %mul3A_3 : i32
    %add3A_5 = arith.constant 0 : i32
    %add3A_6 = arith.addi %mul3A_4, %add3A_5 : i32
    %mul3A_7 = arith.constant 800000 : i32
    %mul3A_8 = arith.muli %arg0, %mul3A_7 : i32
    %add3A_9 = arith.addi %mul3A_8, %add3A_6 : i32
    "tpu.region"() ({
      %run_scoped3A = tpu.sem_alloc : memref<!tpu.dma_semaphore, #tpu.memory_space<semaphore_mem>>
      %dma_start3A_21 = tpu.memref_slice %arg3[%add3A_9] : memref<1600000xi32, #tpu.memory_space<hbm>> -> memref<200xi32, #tpu.memory_space<hbm>>
      %dma_start3A_22 = tpu.memref_slice %arg3[%add3A_9] : memref<1600000xi32, #tpu.memory_space<hbm>> -> memref<200xi32, #tpu.memory_space<hbm>>
      tpu.enqueue_dma source(%dma_start3A_22 : memref<200xi32, #tpu.memory_space<hbm>>) target(%arg6 : memref<200xi32, #tpu.memory_space<vmem>>) target_semaphore(%run_scoped3A : memref<!tpu.dma_semaphore, #tpu.memory_space<semaphore_mem>>)
      %dma_wait3A = tpu.memref_slice %arg3[%add3A_9] : memref<1600000xi32, #tpu.memory_space<hbm>> -> memref<200xi32, #tpu.memory_space<hbm>>
      %dma_wait3A_23 = tpu.memref_slice %arg3[%add3A_9] : memref<1600000xi32, #tpu.memory_space<hbm>> -> memref<200xi32, #tpu.memory_space<hbm>>
      tpu.wait_dma2 semaphore(%run_scoped3A : memref<!tpu.dma_semaphore, #tpu.memory_space<semaphore_mem>>) src(%dma_wait3A_23 : memref<200xi32, #tpu.memory_space<hbm>>) dst(%arg6 : memref<200xi32, #tpu.memory_space<vmem>>)
      tpu.yield
    }) : () -> ()
    "tpu.region"() ({
      %run_scoped3A = tpu.sem_alloc : memref<!tpu.dma_semaphore, #tpu.memory_space<semaphore_mem>>
      %dma_start3A_21 = tpu.memref_slice %arg4[%add3A_6] : memref<800000xi32, #tpu.memory_space<hbm>> -> memref<200xi32, #tpu.memory_space<hbm>>
      %dma_start3A_22 = tpu.memref_slice %arg4[%add3A_6] : memref<800000xi32, #tpu.memory_space<hbm>> -> memref<200xi32, #tpu.memory_space<hbm>>
      tpu.enqueue_dma source(%dma_start3A_22 : memref<200xi32, #tpu.memory_space<hbm>>) target(%arg8 : memref<200xi32, #tpu.memory_space<vmem>>) target_semaphore(%run_scoped3A : memref<!tpu.dma_semaphore, #tpu.memory_space<semaphore_mem>>)
      %dma_wait3A = tpu.memref_slice %arg4[%add3A_6] : memref<800000xi32, #tpu.memory_space<hbm>> -> memref<200xi32, #tpu.memory_space<hbm>>
      %dma_wait3A_23 = tpu.memref_slice %arg4[%add3A_6] : memref<800000xi32, #tpu.memory_space<hbm>> -> memref<200xi32, #tpu.memory_space<hbm>>
      tpu.wait_dma2 semaphore(%run_scoped3A : memref<!tpu.dma_semaphore, #tpu.memory_space<semaphore_mem>>) src(%dma_wait3A_23 : memref<200xi32, #tpu.memory_space<hbm>>) dst(%arg8 : memref<200xi32, #tpu.memory_space<vmem>>)
      tpu.yield
    }) : () -> ()
    %dma_start3A = arith.constant 0 : i32
    %dma_start3A_10 = arith.constant 0 : i32
    %dma_start3A_11 = tpu.memref_slice %arg2[%dma_start3A, %dma_start3A_10] : memref<100096x32xf32, #tpu.memory_space<hbm>> -> memref<100096x32xf32, #tpu.memory_space<hbm>>
    tpu.enqueue_indirect_dma source(%dma_start3A_11 : memref<100096x32xf32, #tpu.memory_space<hbm>>) target(%arg10 : memref<200x32xf32, #tpu.memory_space<vmem>>) offsets(%arg6 : memref<200xi32, #tpu.memory_space<vmem>>) semaphore(%arg13 : memref<!tpu.dma_semaphore, #tpu.memory_space<semaphore_mem>>)
    %scan3A = arith.constant 0 : i32
    %scan3A_12 = arith.constant 0 : i32
    %scan3A_13 = arith.constant 125 : i32
    %scan3A_14 = arith.addi %scan3A_12, %scan3A_13 : i32
    %scan3A_15 = arith.constant 1 : i32
    scf.for %scan3A_21 = %scan3A_12 to %scan3A_14 step %scan3A_15  : i32 {
      %mul3A_22 = arith.constant 2 : i32
      %mul3A_23 = arith.muli %mul3A_22, %scan3A_21 : i32
      %add3A_24 = arith.constant 1 : i32
      %add3A_25 = arith.addi %mul3A_23, %add3A_24 : i32
      %mul3A_26 = arith.constant 200 : i32
      %mul3A_27 = arith.muli %add3A_25, %mul3A_26 : i32
      %add3A_28 = arith.addi %mul3A_4, %mul3A_27 : i32
      %mul3A_29 = arith.constant 800000 : i32
      %mul3A_30 = arith.muli %arg0, %mul3A_29 : i32
      %add3A_31 = arith.addi %mul3A_30, %add3A_28 : i32
      "tpu.region"() ({
        %run_scoped3A = tpu.sem_alloc : memref<!tpu.dma_semaphore, #tpu.memory_space<semaphore_mem>>
        %dma_start3A_42 = tpu.memref_slice %arg3[%add3A_31] : memref<1600000xi32, #tpu.memory_space<hbm>> -> memref<200xi32, #tpu.memory_space<hbm>>
        %dma_start3A_43 = tpu.memref_slice %arg3[%add3A_31] : memref<1600000xi32, #tpu.memory_space<hbm>> -> memref<200xi32, #tpu.memory_space<hbm>>
        tpu.enqueue_dma source(%dma_start3A_43 : memref<200xi32, #tpu.memory_space<hbm>>) target(%arg7 : memref<200xi32, #tpu.memory_space<vmem>>) target_semaphore(%run_scoped3A : memref<!tpu.dma_semaphore, #tpu.memory_space<semaphore_mem>>)
        %dma_wait3A_44 = tpu.memref_slice %arg3[%add3A_31] : memref<1600000xi32, #tpu.memory_space<hbm>> -> memref<200xi32, #tpu.memory_space<hbm>>
        %dma_wait3A_45 = tpu.memref_slice %arg3[%add3A_31] : memref<1600000xi32, #tpu.memory_space<hbm>> -> memref<200xi32, #tpu.memory_space<hbm>>
        tpu.wait_dma2 semaphore(%run_scoped3A : memref<!tpu.dma_semaphore, #tpu.memory_space<semaphore_mem>>) src(%dma_wait3A_45 : memref<200xi32, #tpu.memory_space<hbm>>) dst(%arg7 : memref<200xi32, #tpu.memory_space<vmem>>)
        tpu.yield
      }) : () -> ()
      "tpu.region"() ({
        %run_scoped3A = tpu.sem_alloc : memref<!tpu.dma_semaphore, #tpu.memory_space<semaphore_mem>>
        %dma_start3A_42 = tpu.memref_slice %arg4[%add3A_28] : memref<800000xi32, #tpu.memory_space<hbm>> -> memref<200xi32, #tpu.memory_space<hbm>>
        %dma_start3A_43 = tpu.memref_slice %arg4[%add3A_28] : memref<800000xi32, #tpu.memory_space<hbm>> -> memref<200xi32, #tpu.memory_space<hbm>>
        tpu.enqueue_dma source(%dma_start3A_43 : memref<200xi32, #tpu.memory_space<hbm>>) target(%arg9 : memref<200xi32, #tpu.memory_space<vmem>>) target_semaphore(%run_scoped3A : memref<!tpu.dma_semaphore, #tpu.memory_space<semaphore_mem>>)
        %dma_wait3A_44 = tpu.memref_slice %arg4[%add3A_28] : memref<800000xi32, #tpu.memory_space<hbm>> -> memref<200xi32, #tpu.memory_space<hbm>>
        %dma_wait3A_45 = tpu.memref_slice %arg4[%add3A_28] : memref<800000xi32, #tpu.memory_space<hbm>> -> memref<200xi32, #tpu.memory_space<hbm>>
        tpu.wait_dma2 semaphore(%run_scoped3A : memref<!tpu.dma_semaphore, #tpu.memory_space<semaphore_mem>>) src(%dma_wait3A_45 : memref<200xi32, #tpu.memory_space<hbm>>) dst(%arg9 : memref<200xi32, #tpu.memory_space<vmem>>)
        tpu.yield
      }) : () -> ()
      %dma_start3A_32 = arith.constant 0 : i32
      %dma_start3A_33 = arith.constant 0 : i32
      %dma_start3A_34 = tpu.memref_slice %arg2[%dma_start3A_32, %dma_start3A_33] : memref<100096x32xf32, #tpu.memory_space<hbm>> -> memref<100096x32xf32, #tpu.memory_space<hbm>>
      tpu.enqueue_indirect_dma source(%dma_start3A_34 : memref<100096x32xf32, #tpu.memory_space<hbm>>) target(%arg11 : memref<200x32xf32, #tpu.memory_space<vmem>>) offsets(%arg7 : memref<200xi32, #tpu.memory_space<vmem>>) semaphore(%arg14 : memref<!tpu.dma_semaphore, #tpu.memory_space<semaphore_mem>>)
      %dma_wait3A = arith.constant 0 : i32
      %dma_wait3A_35 = arith.constant 0 : i32
      %dma_wait3A_36 = tpu.memref_slice %arg2[%dma_wait3A, %dma_wait3A_35] : memref<100096x32xf32, #tpu.memory_space<hbm>> -> memref<100096x32xf32, #tpu.memory_space<hbm>>
      tpu.wait_indirect_dma semaphore(%arg13 : memref<!tpu.dma_semaphore, #tpu.memory_space<semaphore_mem>>) src(%dma_wait3A_36 : memref<100096x32xf32, #tpu.memory_space<hbm>>) dst(%arg10 : memref<200x32xf32, #tpu.memory_space<vmem>>)
      "tpu.region"() ({
        %run_scoped3A = tpu.sem_alloc : memref<!tpu.dma_semaphore, #tpu.memory_space<semaphore_mem>>
        %dma_start3A_42 = arith.constant 0 : i32
        %dma_start3A_43 = arith.constant 0 : i32
        %dma_start3A_44 = tpu.memref_slice %arg12[%dma_start3A_42, %dma_start3A_43] : memref<50048x32xf32, #tpu.memory_space<vmem_shared>> -> memref<50048x32xf32, #tpu.memory_space<vmem_shared>>
        tpu.enqueue_indirect_dma source(%arg10 : memref<200x32xf32, #tpu.memory_space<vmem>>) target(%dma_start3A_44 : memref<50048x32xf32, #tpu.memory_space<vmem_shared>>) offsets(%arg8 : memref<200xi32, #tpu.memory_space<vmem>>) semaphore(%run_scoped3A : memref<!tpu.dma_semaphore, #tpu.memory_space<semaphore_mem>>) {add = true}
        %dma_wait3A_45 = arith.constant 0 : i32
        %dma_wait3A_46 = arith.constant 0 : i32
        %dma_wait3A_47 = tpu.memref_slice %arg12[%dma_wait3A_45, %dma_wait3A_46] : memref<50048x32xf32, #tpu.memory_space<vmem_shared>> -> memref<50048x32xf32, #tpu.memory_space<vmem_shared>>
        tpu.wait_indirect_dma semaphore(%run_scoped3A : memref<!tpu.dma_semaphore, #tpu.memory_space<semaphore_mem>>) src(%arg10 : memref<200x32xf32, #tpu.memory_space<vmem>>) dst(%dma_wait3A_47 : memref<50048x32xf32, #tpu.memory_space<vmem_shared>>)
        tpu.yield
      }) : () -> ()
      %lt3A = arith.constant 124 : i32
      %lt3A_37 = arith.cmpi slt, %scan3A_21, %lt3A : i32
      %convert_element_type3A = arith.extui %lt3A_37 : i1 to i32
      %cond3A = arith.constant 0 : i32
      %cond3A_38 = arith.cmpi ne, %convert_element_type3A, %cond3A : i32
      scf.if %cond3A_38 {
        %mul3A_42 = arith.constant 2 : i32
        %mul3A_43 = arith.muli %mul3A_42, %scan3A_21 : i32
        %add3A_44 = arith.constant 2 : i32
        %add3A_45 = arith.addi %mul3A_43, %add3A_44 : i32
        %mul3A_46 = arith.constant 200 : i32
        %mul3A_47 = arith.muli %add3A_45, %mul3A_46 : i32
        %add3A_48 = arith.addi %mul3A_4, %mul3A_47 : i32
        %mul3A_49 = arith.constant 800000 : i32
        %mul3A_50 = arith.muli %arg0, %mul3A_49 : i32
        %add3A_51 = arith.addi %mul3A_50, %add3A_48 : i32
        "tpu.region"() ({
          %run_scoped3A = tpu.sem_alloc : memref<!tpu.dma_semaphore, #tpu.memory_space<semaphore_mem>>
          %dma_start3A_55 = tpu.memref_slice %arg3[%add3A_51] : memref<1600000xi32, #tpu.memory_space<hbm>> -> memref<200xi32, #tpu.memory_space<hbm>>
          %dma_start3A_56 = tpu.memref_slice %arg3[%add3A_51] : memref<1600000xi32, #tpu.memory_space<hbm>> -> memref<200xi32, #tpu.memory_space<hbm>>
          tpu.enqueue_dma source(%dma_start3A_56 : memref<200xi32, #tpu.memory_space<hbm>>) target(%arg6 : memref<200xi32, #tpu.memory_space<vmem>>) target_semaphore(%run_scoped3A : memref<!tpu.dma_semaphore, #tpu.memory_space<semaphore_mem>>)
          %dma_wait3A_57 = tpu.memref_slice %arg3[%add3A_51] : memref<1600000xi32, #tpu.memory_space<hbm>> -> memref<200xi32, #tpu.memory_space<hbm>>
          %dma_wait3A_58 = tpu.memref_slice %arg3[%add3A_51] : memref<1600000xi32, #tpu.memory_space<hbm>> -> memref<200xi32, #tpu.memory_space<hbm>>
          tpu.wait_dma2 semaphore(%run_scoped3A : memref<!tpu.dma_semaphore, #tpu.memory_space<semaphore_mem>>) src(%dma_wait3A_58 : memref<200xi32, #tpu.memory_space<hbm>>) dst(%arg6 : memref<200xi32, #tpu.memory_space<vmem>>)
          tpu.yield
        }) : () -> ()
        "tpu.region"() ({
          %run_scoped3A = tpu.sem_alloc : memref<!tpu.dma_semaphore, #tpu.memory_space<semaphore_mem>>
          %dma_start3A_55 = tpu.memref_slice %arg4[%add3A_48] : memref<800000xi32, #tpu.memory_space<hbm>> -> memref<200xi32, #tpu.memory_space<hbm>>
          %dma_start3A_56 = tpu.memref_slice %arg4[%add3A_48] : memref<800000xi32, #tpu.memory_space<hbm>> -> memref<200xi32, #tpu.memory_space<hbm>>
          tpu.enqueue_dma source(%dma_start3A_56 : memref<200xi32, #tpu.memory_space<hbm>>) target(%arg8 : memref<200xi32, #tpu.memory_space<vmem>>) target_semaphore(%run_scoped3A : memref<!tpu.dma_semaphore, #tpu.memory_space<semaphore_mem>>)
          %dma_wait3A_57 = tpu.memref_slice %arg4[%add3A_48] : memref<800000xi32, #tpu.memory_space<hbm>> -> memref<200xi32, #tpu.memory_space<hbm>>
          %dma_wait3A_58 = tpu.memref_slice %arg4[%add3A_48] : memref<800000xi32, #tpu.memory_space<hbm>> -> memref<200xi32, #tpu.memory_space<hbm>>
          tpu.wait_dma2 semaphore(%run_scoped3A : memref<!tpu.dma_semaphore, #tpu.memory_space<semaphore_mem>>) src(%dma_wait3A_58 : memref<200xi32, #tpu.memory_space<hbm>>) dst(%arg8 : memref<200xi32, #tpu.memory_space<vmem>>)
          tpu.yield
        }) : () -> ()
        %dma_start3A_52 = arith.constant 0 : i32
        %dma_start3A_53 = arith.constant 0 : i32
        %dma_start3A_54 = tpu.memref_slice %arg2[%dma_start3A_52, %dma_start3A_53] : memref<100096x32xf32, #tpu.memory_space<hbm>> -> memref<100096x32xf32, #tpu.memory_space<hbm>>
        tpu.enqueue_indirect_dma source(%dma_start3A_54 : memref<100096x32xf32, #tpu.memory_space<hbm>>) target(%arg10 : memref<200x32xf32, #tpu.memory_space<vmem>>) offsets(%arg6 : memref<200xi32, #tpu.memory_space<vmem>>) semaphore(%arg13 : memref<!tpu.dma_semaphore, #tpu.memory_space<semaphore_mem>>)
      } else {
      }
      %dma_wait3A_39 = arith.constant 0 : i32
      %dma_wait3A_40 = arith.constant 0 : i32
      %dma_wait3A_41 = tpu.memref_slice %arg2[%dma_wait3A_39, %dma_wait3A_40] : memref<100096x32xf32, #tpu.memory_space<hbm>> -> memref<100096x32xf32, #tpu.memory_space<hbm>>
      tpu.wait_indirect_dma semaphore(%arg14 : memref<!tpu.dma_semaphore, #tpu.memory_space<semaphore_mem>>) src(%dma_wait3A_41 : memref<100096x32xf32, #tpu.memory_space<hbm>>) dst(%arg11 : memref<200x32xf32, #tpu.memory_space<vmem>>)
      "tpu.region"() ({
        %run_scoped3A = tpu.sem_alloc : memref<!tpu.dma_semaphore, #tpu.memory_space<semaphore_mem>>
        %dma_start3A_42 = arith.constant 0 : i32
        %dma_start3A_43 = arith.constant 0 : i32
        %dma_start3A_44 = tpu.memref_slice %arg12[%dma_start3A_42, %dma_start3A_43] : memref<50048x32xf32, #tpu.memory_space<vmem_shared>> -> memref<50048x32xf32, #tpu.memory_space<vmem_shared>>
        tpu.enqueue_indirect_dma source(%arg11 : memref<200x32xf32, #tpu.memory_space<vmem>>) target(%dma_start3A_44 : memref<50048x32xf32, #tpu.memory_space<vmem_shared>>) offsets(%arg9 : memref<200xi32, #tpu.memory_space<vmem>>) semaphore(%run_scoped3A : memref<!tpu.dma_semaphore, #tpu.memory_space<semaphore_mem>>) {add = true}
        %dma_wait3A_45 = arith.constant 0 : i32
        %dma_wait3A_46 = arith.constant 0 : i32
        %dma_wait3A_47 = tpu.memref_slice %arg12[%dma_wait3A_45, %dma_wait3A_46] : memref<50048x32xf32, #tpu.memory_space<vmem_shared>> -> memref<50048x32xf32, #tpu.memory_space<vmem_shared>>
        tpu.wait_indirect_dma semaphore(%run_scoped3A : memref<!tpu.dma_semaphore, #tpu.memory_space<semaphore_mem>>) src(%arg11 : memref<200x32xf32, #tpu.memory_space<vmem>>) dst(%dma_wait3A_47 : memref<50048x32xf32, #tpu.memory_space<vmem_shared>>)
        tpu.yield
      }) : () -> ()
    }
    %scan3A_16 = arith.constant 125 : i32
    %barrier3A_17 = arith.constant 0 : index
    tpu.barrier barrier_id(%barrier3A_17)
    %mul3A_18 = arith.constant 50048 : i32
    %mul3A_19 = arith.muli %arg0, %mul3A_18 : i32
    %add3A_20 = arith.addi %mul3A_19, %mul3A_0 : i32
    "tpu.region"() ({
      %run_scoped3A = tpu.sem_alloc : memref<!tpu.dma_semaphore, #tpu.memory_space<semaphore_mem>>
      %dma_start3A_21 = arith.constant 0 : i32
      %dma_start3A_22 = tpu.memref_slice %arg5[%add3A_20, %dma_start3A_21] : memref<100096x32xf32, #tpu.memory_space<hbm>> -> memref<3128x32xf32, #tpu.memory_space<hbm>>
      %dma_start3A_23 = arith.constant 0 : i32
      %dma_start3A_24 = tpu.memref_slice %arg12[%mul3A_0, %dma_start3A_23] : memref<50048x32xf32, #tpu.memory_space<vmem_shared>> -> memref<3128x32xf32, #tpu.memory_space<vmem_shared>>
      tpu.enqueue_dma source(%dma_start3A_24 : memref<3128x32xf32, #tpu.memory_space<vmem_shared>>) target(%dma_start3A_22 : memref<3128x32xf32, #tpu.memory_space<hbm>>) target_semaphore(%run_scoped3A : memref<!tpu.dma_semaphore, #tpu.memory_space<semaphore_mem>>)
      %dma_wait3A = arith.constant 0 : i32
      %dma_wait3A_25 = tpu.memref_slice %arg5[%add3A_20, %dma_wait3A] : memref<100096x32xf32, #tpu.memory_space<hbm>> -> memref<3128x32xf32, #tpu.memory_space<hbm>>
      %dma_wait3A_26 = arith.constant 0 : i32
      %dma_wait3A_27 = tpu.memref_slice %arg12[%mul3A_0, %dma_wait3A_26] : memref<50048x32xf32, #tpu.memory_space<vmem_shared>> -> memref<3128x32xf32, #tpu.memory_space<vmem_shared>>
      tpu.wait_dma2 semaphore(%run_scoped3A : memref<!tpu.dma_semaphore, #tpu.memory_space<semaphore_mem>>) src(%dma_wait3A_27 : memref<3128x32xf32, #tpu.memory_space<vmem_shared>>) dst(%dma_wait3A_25 : memref<3128x32xf32, #tpu.memory_space<hbm>>)
      tpu.yield
    }) : () -> ()
    return
  }
}

module attributes {stable_mosaic.version = 14 : i64} {
  func.func @_tc1_body(%arg0: i32, %arg1: memref<2176x5xf32, #tpu.memory_space<vmem>>, %arg2: memref<2176x16xf32, #tpu.memory_space<vmem>>, %arg3: memref<5x64xf32, #tpu.memory_space<vmem>>, %arg4: memref<1x64xf32, #tpu.memory_space<vmem>>, %arg5: memref<64x64xf32, #tpu.memory_space<vmem>>, %arg6: memref<1x64xf32, #tpu.memory_space<vmem>>, %arg7: memref<64x64xf32, #tpu.memory_space<vmem>>, %arg8: memref<2x2176x32xf32, #tpu.memory_space<vmem>>) attributes {dimension_semantics = [#tpu.dimension_semantics<arbitrary>], iteration_bounds = array<i64: 23>, scalar_prefetch = 0 : i64, scratch_operands = 0 : i64, tpu.core_type = #tpu.core_type<tc>, window_params = [{transform_indices = @transform_0, window_bounds = array<i64: 2176, 5>}, {transform_indices = @transform_1, window_bounds = array<i64: 2176, 16>}, {pipeline_mode = #tpu.pipeline_mode<synchronous>, transform_indices = @transform_2, window_bounds = array<i64: 5, 64>}, {pipeline_mode = #tpu.pipeline_mode<synchronous>, transform_indices = @transform_3, window_bounds = array<i64: 1, 64>}, {pipeline_mode = #tpu.pipeline_mode<synchronous>, transform_indices = @transform_4, window_bounds = array<i64: 64, 64>}, {pipeline_mode = #tpu.pipeline_mode<synchronous>, transform_indices = @transform_5, window_bounds = array<i64: 1, 64>}, {pipeline_mode = #tpu.pipeline_mode<synchronous>, transform_indices = @transform_6, window_bounds = array<i64: 64, 64>}, {transform_indices = @transform_7, window_bounds = array<i64: 2, 2176, 32>}]} {
    %get3A = arith.constant 0 : index
    %get3A_0 = arith.constant 0 : index
    %get3A_1 = vector.load %arg2[%get3A, %get3A_0] : memref<2176x16xf32, #tpu.memory_space<vmem>>, vector<2176x1xf32>
    %add3A = arith.constant 1.000000e+00 : f32
    %add3A_2 = vector.broadcast %add3A : f32 to vector<2176x1xf32>
    %add3A_3 = arith.addf %get3A_1, %add3A_2 : vector<2176x1xf32>
    %rsqrt3A = math.rsqrt %add3A_3 : vector<2176x1xf32>
    %get3A_4 = arith.constant 0 : index
    %get3A_5 = arith.constant 0 : index
    %get3A_6 = vector.load %arg1[%get3A_4, %get3A_5] : memref<2176x5xf32, #tpu.memory_space<vmem>>, vector<2176x5xf32>
    %get3A_7 = arith.constant 0 : index
    %get3A_8 = arith.constant 0 : index
    %get3A_9 = vector.load %arg3[%get3A_7, %get3A_8] : memref<5x64xf32, #tpu.memory_space<vmem>>, vector<5x64xf32>
    %dot_general3A = arith.constant dense<0.000000e+00> : vector<2176x64xf32>
    %dot_general3A_10 = tpu.matmul %get3A_6, %get3A_9, %dot_general3A {dimension_numbers = #tpu.dot_dimension_numbers<[1], [0], [0], [1], [0, 0, 1, 1], [], []>, precision = #tpu.contract_precision<fp32>, transpose_lhs_hint = false} : vector<2176x5xf32>, vector<5x64xf32>, vector<2176x64xf32> -> vector<2176x64xf32>
    %get3A_11 = arith.constant 0 : index
    %get3A_12 = arith.constant 0 : index
    %get3A_13 = vector.load %arg4[%get3A_11, %get3A_12] : memref<1x64xf32, #tpu.memory_space<vmem>>, vector<1x64xf32>
    %add3A_14 = vector.broadcast %get3A_13 : vector<1x64xf32> to vector<2176x64xf32>
    %add3A_15 = arith.addf %dot_general3A_10, %add3A_14 : vector<2176x64xf32>
    %max3A = arith.constant 0.000000e+00 : f32
    %max3A_16 = vector.broadcast %max3A : f32 to vector<2176x64xf32>
    %max3A_17 = arith.maximumf %add3A_15, %max3A_16 : vector<2176x64xf32>
    %get3A_18 = arith.constant 0 : index
    %get3A_19 = arith.constant 0 : index
    %get3A_20 = vector.load %arg5[%get3A_18, %get3A_19] : memref<64x64xf32, #tpu.memory_space<vmem>>, vector<64x64xf32>
    %dot_general3A_21 = arith.constant dense<0.000000e+00> : vector<2176x64xf32>
    %dot_general3A_22 = tpu.matmul %max3A_17, %get3A_20, %dot_general3A_21 {dimension_numbers = #tpu.dot_dimension_numbers<[1], [0], [0], [1], [0, 0, 1, 1], [], []>, precision = #tpu.contract_precision<fp32>, transpose_lhs_hint = false} : vector<2176x64xf32>, vector<64x64xf32>, vector<2176x64xf32> -> vector<2176x64xf32>
    %get3A_23 = arith.constant 0 : index
    %get3A_24 = arith.constant 0 : index
    %get3A_25 = vector.load %arg6[%get3A_23, %get3A_24] : memref<1x64xf32, #tpu.memory_space<vmem>>, vector<1x64xf32>
    %add3A_26 = vector.broadcast %get3A_25 : vector<1x64xf32> to vector<2176x64xf32>
    %add3A_27 = arith.addf %dot_general3A_22, %add3A_26 : vector<2176x64xf32>
    %get3A_28 = arith.constant 0 : index
    %get3A_29 = arith.constant 0 : index
    %get3A_30 = vector.load %arg7[%get3A_28, %get3A_29] : memref<64x64xf32, #tpu.memory_space<vmem>>, vector<64x64xf32>
    %dot_general3A_31 = arith.constant dense<0.000000e+00> : vector<2176x64xf32>
    %dot_general3A_32 = tpu.matmul %add3A_27, %get3A_30, %dot_general3A_31 {dimension_numbers = #tpu.dot_dimension_numbers<[1], [0], [0], [1], [0, 0, 1, 1], [], []>, precision = #tpu.contract_precision<fp32>, transpose_lhs_hint = false} : vector<2176x64xf32>, vector<64x64xf32>, vector<2176x64xf32> -> vector<2176x64xf32>
    %mul3A = vector.broadcast %rsqrt3A : vector<2176x1xf32> to vector<2176x64xf32>
    %mul3A_33 = arith.mulf %dot_general3A_32, %mul3A : vector<2176x64xf32>
    %slice3A = vector.extract_strided_slice %mul3A_33 {offsets = [0, 0], sizes = [2176, 32], strides = [1, 1]} : vector<2176x64xf32> to vector<2176x32xf32>
    %slice3A_34 = vector.extract_strided_slice %mul3A_33 {offsets = [0, 32], sizes = [2176, 32], strides = [1, 1]} : vector<2176x64xf32> to vector<2176x32xf32>
    %stack3A = vector.shape_cast %slice3A : vector<2176x32xf32> to vector<1x2176x32xf32>
    %stack3A_35 = vector.shape_cast %slice3A_34 : vector<2176x32xf32> to vector<1x2176x32xf32>
    %stack3A_36 = tpu.concatenate %stack3A, %stack3A_35 in 0 : vector<1x2176x32xf32>, vector<1x2176x32xf32> -> vector<2x2176x32xf32>
    %swap3A = arith.constant 0 : index
    %swap3A_37 = arith.constant 0 : index
    %swap3A_38 = arith.constant 0 : index
    %swap3A_39 = vector.load %arg8[%swap3A, %swap3A_37, %swap3A_38] : memref<2x2176x32xf32, #tpu.memory_space<vmem>>, vector<2x2176x32xf32>
    tpu.vector_store %arg8[%swap3A, %swap3A_37, %swap3A_38], %stack3A_36 {strides = array<i32>} : memref<2x2176x32xf32, #tpu.memory_space<vmem>>, vector<2x2176x32xf32>,
    return
  }
  func.func @transform_0(%arg0: i32) -> (i32, i32) {
    %c0_i32 = arith.constant 0 : i32
    %c0_i32_0 = arith.constant 0 : i32
    return %arg0, %c0_i32 : i32, i32
  }
  func.func @transform_1(%arg0: i32) -> (i32, i32) {
    %c0_i32 = arith.constant 0 : i32
    %c0_i32_0 = arith.constant 0 : i32
    return %arg0, %c0_i32 : i32, i32
  }
  func.func @transform_2(%arg0: i32) -> (i32, i32) {
    %c0_i32 = arith.constant 0 : i32
    %c0_i32_0 = arith.constant 0 : i32
    %c0_i32_1 = arith.constant 0 : i32
    return %c0_i32, %c0_i32_0 : i32, i32
  }
  func.func @transform_3(%arg0: i32) -> (i32, i32) {
    %c0_i32 = arith.constant 0 : i32
    %c0_i32_0 = arith.constant 0 : i32
    %c0_i32_1 = arith.constant 0 : i32
    return %c0_i32, %c0_i32_0 : i32, i32
  }
  func.func @transform_4(%arg0: i32) -> (i32, i32) {
    %c0_i32 = arith.constant 0 : i32
    %c0_i32_0 = arith.constant 0 : i32
    %c0_i32_1 = arith.constant 0 : i32
    return %c0_i32, %c0_i32_0 : i32, i32
  }
  func.func @transform_5(%arg0: i32) -> (i32, i32) {
    %c0_i32 = arith.constant 0 : i32
    %c0_i32_0 = arith.constant 0 : i32
    %c0_i32_1 = arith.constant 0 : i32
    return %c0_i32, %c0_i32_0 : i32, i32
  }
  func.func @transform_6(%arg0: i32) -> (i32, i32) {
    %c0_i32 = arith.constant 0 : i32
    %c0_i32_0 = arith.constant 0 : i32
    %c0_i32_1 = arith.constant 0 : i32
    return %c0_i32, %c0_i32_0 : i32, i32
  }
  func.func @transform_7(%arg0: i32) -> (i32, i32, i32) {
    %c0_i32 = arith.constant 0 : i32
    %c0_i32_0 = arith.constant 0 : i32
    %c0_i32_1 = arith.constant 0 : i32
    return %c0_i32, %arg0, %c0_i32_0 : i32, i32, i32
  }
}

module attributes {stable_mosaic.version = 14 : i64} {
  func.func @_tce_body(%arg0: i32, %arg1: memref<1000x16xf32, #tpu.memory_space<vmem>>, %arg2: memref<2x16x128xf32, #tpu.memory_space<vmem>>, %arg3: memref<2x1x128xf32, #tpu.memory_space<vmem>>, %arg4: memref<2x1000x128xf32, #tpu.memory_space<vmem>>) attributes {dimension_semantics = [#tpu.dimension_semantics<arbitrary>], iteration_bounds = array<i64: 200>, scalar_prefetch = 0 : i64, scratch_operands = 0 : i64, tpu.core_type = #tpu.core_type<tc>, window_params = [{transform_indices = @transform_0, window_bounds = array<i64: 1000, 16>}, {pipeline_mode = #tpu.pipeline_mode<synchronous>, transform_indices = @transform_1, window_bounds = array<i64: 2, 16, 128>}, {pipeline_mode = #tpu.pipeline_mode<synchronous>, transform_indices = @transform_2, window_bounds = array<i64: 2, 1, 128>}, {transform_indices = @transform_3, window_bounds = array<i64: 2, 1000, 128>}]} {
    %get3A = arith.constant 0 : index
    %get3A_0 = arith.constant 0 : index
    %get3A_1 = vector.load %arg1[%get3A, %get3A_0] : memref<1000x16xf32, #tpu.memory_space<vmem>>, vector<1000x16xf32>
    %get3A_2 = arith.constant 0 : index
    %get3A_3 = arith.constant 0 : index
    %get3A_4 = arith.constant 0 : index
    %get3A_5 = vector.load %arg2[%get3A_2, %get3A_3, %get3A_4] : memref<2x16x128xf32, #tpu.memory_space<vmem>>, vector<1x16x128xf32>
    %get3A_6 = vector.shape_cast %get3A_5 : vector<1x16x128xf32> to vector<16x128xf32>
    %dot_general3A = arith.constant dense<0.000000e+00> : vector<1000x128xf32>
    %dot_general3A_7 = tpu.matmul %get3A_1, %get3A_6, %dot_general3A {dimension_numbers = #tpu.dot_dimension_numbers<[1], [0], [0], [1], [0, 0, 1, 1], [], []>, precision = #tpu.contract_precision<fp32>, transpose_lhs_hint = false} : vector<1000x16xf32>, vector<16x128xf32>, vector<1000x128xf32> -> vector<1000x128xf32>
    %get3A_8 = arith.constant 0 : index
    %get3A_9 = arith.constant 0 : index
    %get3A_10 = arith.constant 0 : index
    %get3A_11 = vector.load %arg3[%get3A_8, %get3A_9, %get3A_10] : memref<2x1x128xf32, #tpu.memory_space<vmem>>, vector<1x1x128xf32>
    %get3A_12 = vector.shape_cast %get3A_11 : vector<1x1x128xf32> to vector<1x128xf32>
    %add3A = vector.broadcast %get3A_12 : vector<1x128xf32> to vector<1000x128xf32>
    %add3A_13 = arith.addf %dot_general3A_7, %add3A : vector<1000x128xf32>
    %max3A = arith.constant 0.000000e+00 : f32
    %max3A_14 = vector.broadcast %max3A : f32 to vector<1000x128xf32>
    %max3A_15 = arith.maximumf %add3A_13, %max3A_14 : vector<1000x128xf32>
    %get3A_16 = arith.constant 1 : index
    %get3A_17 = arith.constant 0 : index
    %get3A_18 = arith.constant 0 : index
    %get3A_19 = vector.load %arg2[%get3A_16, %get3A_17, %get3A_18] : memref<2x16x128xf32, #tpu.memory_space<vmem>>, vector<1x16x128xf32>
    %get3A_20 = vector.shape_cast %get3A_19 : vector<1x16x128xf32> to vector<16x128xf32>
    %dot_general3A_21 = arith.constant dense<0.000000e+00> : vector<1000x128xf32>
    %dot_general3A_22 = tpu.matmul %get3A_1, %get3A_20, %dot_general3A_21 {dimension_numbers = #tpu.dot_dimension_numbers<[1], [0], [0], [1], [0, 0, 1, 1], [], []>, precision = #tpu.contract_precision<fp32>, transpose_lhs_hint = false} : vector<1000x16xf32>, vector<16x128xf32>, vector<1000x128xf32> -> vector<1000x128xf32>
    %get3A_23 = arith.constant 1 : index
    %get3A_24 = arith.constant 0 : index
    %get3A_25 = arith.constant 0 : index
    %get3A_26 = vector.load %arg3[%get3A_23, %get3A_24, %get3A_25] : memref<2x1x128xf32, #tpu.memory_space<vmem>>, vector<1x1x128xf32>
    %get3A_27 = vector.shape_cast %get3A_26 : vector<1x1x128xf32> to vector<1x128xf32>
    %add3A_28 = vector.broadcast %get3A_27 : vector<1x128xf32> to vector<1000x128xf32>
    %add3A_29 = arith.addf %dot_general3A_22, %add3A_28 : vector<1000x128xf32>
    %max3A_30 = arith.constant 0.000000e+00 : f32
    %max3A_31 = vector.broadcast %max3A_30 : f32 to vector<1000x128xf32>
    %max3A_32 = arith.maximumf %add3A_29, %max3A_31 : vector<1000x128xf32>
    %stack3A = vector.shape_cast %max3A_15 : vector<1000x128xf32> to vector<1x1000x128xf32>
    %stack3A_33 = vector.shape_cast %max3A_32 : vector<1000x128xf32> to vector<1x1000x128xf32>
    %stack3A_34 = tpu.concatenate %stack3A, %stack3A_33 in 0 : vector<1x1000x128xf32>, vector<1x1000x128xf32> -> vector<2x1000x128xf32>
    %swap3A = arith.constant 0 : index
    %swap3A_35 = arith.constant 0 : index
    %swap3A_36 = arith.constant 0 : index
    %swap3A_37 = vector.load %arg4[%swap3A, %swap3A_35, %swap3A_36] : memref<2x1000x128xf32, #tpu.memory_space<vmem>>, vector<2x1000x128xf32>
    tpu.vector_store %arg4[%swap3A, %swap3A_35, %swap3A_36], %stack3A_34 {strides = array<i32>} : memref<2x1000x128xf32, #tpu.memory_space<vmem>>, vector<2x1000x128xf32>,
    return
  }
  func.func @transform_0(%arg0: i32) -> (i32, i32) {
    %c0_i32 = arith.constant 0 : i32
    %c0_i32_0 = arith.constant 0 : i32
    return %arg0, %c0_i32 : i32, i32
  }
  func.func @transform_1(%arg0: i32) -> (i32, i32, i32) {
    %c0_i32 = arith.constant 0 : i32
    %c0_i32_0 = arith.constant 0 : i32
    %c0_i32_1 = arith.constant 0 : i32
    %c0_i32_2 = arith.constant 0 : i32
    return %c0_i32, %c0_i32_0, %c0_i32_1 : i32, i32, i32
  }
  func.func @transform_2(%arg0: i32) -> (i32, i32, i32) {
    %c0_i32 = arith.constant 0 : i32
    %c0_i32_0 = arith.constant 0 : i32
    %c0_i32_1 = arith.constant 0 : i32
    %c0_i32_2 = arith.constant 0 : i32
    return %c0_i32, %c0_i32_0, %c0_i32_1 : i32, i32, i32
  }
  func.func @transform_3(%arg0: i32) -> (i32, i32, i32) {
    %c0_i32 = arith.constant 0 : i32
    %c0_i32_0 = arith.constant 0 : i32
    %c0_i32_1 = arith.constant 0 : i32
    return %c0_i32, %arg0, %c0_i32_0 : i32, i32, i32
  }
}

module attributes {stable_mosaic.version = 14 : i64} {
  func.func @_tc2_body(%arg0: i32, %arg1: memref<2x2176x32xf32, #tpu.memory_space<vmem>>, %arg2: memref<2176x16xf32, #tpu.memory_space<vmem>>, %arg3: memref<1x64xf32, #tpu.memory_space<vmem>>, %arg4: memref<64x64xf32, #tpu.memory_space<vmem>>, %arg5: memref<2x2176x32xf32, #tpu.memory_space<vmem>>) attributes {dimension_semantics = [#tpu.dimension_semantics<arbitrary>], iteration_bounds = array<i64: 23>, scalar_prefetch = 0 : i64, scratch_operands = 0 : i64, tpu.core_type = #tpu.core_type<tc>, window_params = [{transform_indices = @transform_0, window_bounds = array<i64: 2, 2176, 32>}, {transform_indices = @transform_1, window_bounds = array<i64: 2176, 16>}, {pipeline_mode = #tpu.pipeline_mode<synchronous>, transform_indices = @transform_2, window_bounds = array<i64: 1, 64>}, {pipeline_mode = #tpu.pipeline_mode<synchronous>, transform_indices = @transform_3, window_bounds = array<i64: 64, 64>}, {transform_indices = @transform_4, window_bounds = array<i64: 2, 2176, 32>}]} {
    %get3A = arith.constant 0 : index
    %get3A_0 = arith.constant 0 : index
    %get3A_1 = vector.load %arg2[%get3A, %get3A_0] : memref<2176x16xf32, #tpu.memory_space<vmem>>, vector<2176x1xf32>
    %add3A = arith.constant 1.000000e+00 : f32
    %add3A_2 = vector.broadcast %add3A : f32 to vector<2176x1xf32>
    %add3A_3 = arith.addf %get3A_1, %add3A_2 : vector<2176x1xf32>
    %rsqrt3A = math.rsqrt %add3A_3 : vector<2176x1xf32>
    %get3A_4 = arith.constant 0 : index
    %get3A_5 = arith.constant 0 : index
    %get3A_6 = arith.constant 0 : index
    %get3A_7 = vector.load %arg1[%get3A_4, %get3A_5, %get3A_6] : memref<2x2176x32xf32, #tpu.memory_space<vmem>>, vector<1x2176x32xf32>
    %get3A_8 = vector.shape_cast %get3A_7 : vector<1x2176x32xf32> to vector<2176x32xf32>
    %get3A_9 = arith.constant 1 : index
    %get3A_10 = arith.constant 0 : index
    %get3A_11 = arith.constant 0 : index
    %get3A_12 = vector.load %arg1[%get3A_9, %get3A_10, %get3A_11] : memref<2x2176x32xf32, #tpu.memory_space<vmem>>, vector<1x2176x32xf32>
    %get3A_13 = vector.shape_cast %get3A_12 : vector<1x2176x32xf32> to vector<2176x32xf32>
    %concatenate3A = tpu.concatenate %get3A_8, %get3A_13 in 1 : vector<2176x32xf32>, vector<2176x32xf32> -> vector<2176x64xf32>
    %mul3A = vector.broadcast %rsqrt3A : vector<2176x1xf32> to vector<2176x64xf32>
    %mul3A_14 = arith.mulf %concatenate3A, %mul3A : vector<2176x64xf32>
    %get3A_15 = arith.constant 0 : index
    %get3A_16 = arith.constant 0 : index
    %get3A_17 = vector.load %arg3[%get3A_15, %get3A_16] : memref<1x64xf32, #tpu.memory_space<vmem>>, vector<1x64xf32>
    %add3A_18 = vector.broadcast %get3A_17 : vector<1x64xf32> to vector<2176x64xf32>
    %add3A_19 = arith.addf %mul3A_14, %add3A_18 : vector<2176x64xf32>
    %max3A = arith.constant 0.000000e+00 : f32
    %max3A_20 = vector.broadcast %max3A : f32 to vector<2176x64xf32>
    %max3A_21 = arith.maximumf %add3A_19, %max3A_20 : vector<2176x64xf32>
    %get3A_22 = arith.constant 0 : index
    %get3A_23 = arith.constant 0 : index
    %get3A_24 = vector.load %arg4[%get3A_22, %get3A_23] : memref<64x64xf32, #tpu.memory_space<vmem>>, vector<64x64xf32>
    %dot_general3A = arith.constant dense<0.000000e+00> : vector<2176x64xf32>
    %dot_general3A_25 = tpu.matmul %max3A_21, %get3A_24, %dot_general3A {dimension_numbers = #tpu.dot_dimension_numbers<[1], [0], [0], [1], [0, 0, 1, 1], [], []>, precision = #tpu.contract_precision<fp32>, transpose_lhs_hint = false} : vector<2176x64xf32>, vector<64x64xf32>, vector<2176x64xf32> -> vector<2176x64xf32>
    %mul3A_26 = vector.broadcast %rsqrt3A : vector<2176x1xf32> to vector<2176x64xf32>
    %mul3A_27 = arith.mulf %dot_general3A_25, %mul3A_26 : vector<2176x64xf32>
    %slice3A = vector.extract_strided_slice %mul3A_27 {offsets = [0, 0], sizes = [2176, 32], strides = [1, 1]} : vector<2176x64xf32> to vector<2176x32xf32>
    %slice3A_28 = vector.extract_strided_slice %mul3A_27 {offsets = [0, 32], sizes = [2176, 32], strides = [1, 1]} : vector<2176x64xf32> to vector<2176x32xf32>
    %stack3A = vector.shape_cast %slice3A : vector<2176x32xf32> to vector<1x2176x32xf32>
    %stack3A_29 = vector.shape_cast %slice3A_28 : vector<2176x32xf32> to vector<1x2176x32xf32>
    %stack3A_30 = tpu.concatenate %stack3A, %stack3A_29 in 0 : vector<1x2176x32xf32>, vector<1x2176x32xf32> -> vector<2x2176x32xf32>
    %swap3A = arith.constant 0 : index
    %swap3A_31 = arith.constant 0 : index
    %swap3A_32 = arith.constant 0 : index
    %swap3A_33 = vector.load %arg5[%swap3A, %swap3A_31, %swap3A_32] : memref<2x2176x32xf32, #tpu.memory_space<vmem>>, vector<2x2176x32xf32>
    tpu.vector_store %arg5[%swap3A, %swap3A_31, %swap3A_32], %stack3A_30 {strides = array<i32>} : memref<2x2176x32xf32, #tpu.memory_space<vmem>>, vector<2x2176x32xf32>,
    return
  }
  func.func @transform_0(%arg0: i32) -> (i32, i32, i32) {
    %c0_i32 = arith.constant 0 : i32
    %c0_i32_0 = arith.constant 0 : i32
    %c0_i32_1 = arith.constant 0 : i32
    return %c0_i32, %arg0, %c0_i32_0 : i32, i32, i32
  }
  func.func @transform_1(%arg0: i32) -> (i32, i32) {
    %c0_i32 = arith.constant 0 : i32
    %c0_i32_0 = arith.constant 0 : i32
    return %arg0, %c0_i32 : i32, i32
  }
  func.func @transform_2(%arg0: i32) -> (i32, i32) {
    %c0_i32 = arith.constant 0 : i32
    %c0_i32_0 = arith.constant 0 : i32
    %c0_i32_1 = arith.constant 0 : i32
    return %c0_i32, %c0_i32_0 : i32, i32
  }
  func.func @transform_3(%arg0: i32) -> (i32, i32) {
    %c0_i32 = arith.constant 0 : i32
    %c0_i32_0 = arith.constant 0 : i32
    %c0_i32_1 = arith.constant 0 : i32
    return %c0_i32, %c0_i32_0 : i32, i32
  }
  func.func @transform_4(%arg0: i32) -> (i32, i32, i32) {
    %c0_i32 = arith.constant 0 : i32
    %c0_i32_0 = arith.constant 0 : i32
    %c0_i32_1 = arith.constant 0 : i32
    return %c0_i32, %arg0, %c0_i32_0 : i32, i32, i32
  }
}

module attributes {stable_mosaic.version = 14 : i64} {
  func.func @_tc3_real_body(%arg0: i32, %arg1: memref<2x2176x32xf32, #tpu.memory_space<vmem>>, %arg2: memref<2176x16xf32, #tpu.memory_space<vmem>>, %arg3: memref<2176x16xf32, #tpu.memory_space<vmem>>, %arg4: memref<2x2176x32xf32, #tpu.memory_space<vmem>>, %arg5: memref<1x64xf32, #tpu.memory_space<vmem>>, %arg6: memref<64x64xf32, #tpu.memory_space<vmem>>, %arg7: memref<1x64xf32, #tpu.memory_space<vmem>>, %arg8: memref<128x64xf32, #tpu.memory_space<vmem>>, %arg9: memref<1x64xf32, #tpu.memory_space<vmem>>, %arg10: memref<64x1xf32, #tpu.memory_space<vmem>>, %arg11: memref<1x1xf32, #tpu.memory_space<vmem>>, %arg12: memref<2176x1xf32, #tpu.memory_space<vmem>>) attributes {dimension_semantics = [#tpu.dimension_semantics<arbitrary>], iteration_bounds = array<i64: 23>, scalar_prefetch = 0 : i64, scratch_operands = 0 : i64, tpu.core_type = #tpu.core_type<tc>, window_params = [{transform_indices = @transform_0, window_bounds = array<i64: 2, 2176, 32>}, {transform_indices = @transform_1, window_bounds = array<i64: 2176, 16>}, {transform_indices = @transform_2, window_bounds = array<i64: 2176, 16>}, {transform_indices = @transform_3, window_bounds = array<i64: 2, 2176, 32>}, {pipeline_mode = #tpu.pipeline_mode<synchronous>, transform_indices = @transform_4, window_bounds = array<i64: 1, 64>}, {pipeline_mode = #tpu.pipeline_mode<synchronous>, transform_indices = @transform_5, window_bounds = array<i64: 64, 64>}, {pipeline_mode = #tpu.pipeline_mode<synchronous>, transform_indices = @transform_6, window_bounds = array<i64: 1, 64>}, {pipeline_mode = #tpu.pipeline_mode<synchronous>, transform_indices = @transform_7, window_bounds = array<i64: 128, 64>}, {pipeline_mode = #tpu.pipeline_mode<synchronous>, transform_indices = @transform_8, window_bounds = array<i64: 1, 64>}, {pipeline_mode = #tpu.pipeline_mode<synchronous>, transform_indices = @transform_9, window_bounds = array<i64: 64, 1>}, {pipeline_mode = #tpu.pipeline_mode<synchronous>, transform_indices = @transform_10, window_bounds = array<i64: 1, 1>}, {transform_indices = @transform_11, window_bounds = array<i64: 2176, 1>}]} {
    %get3A = arith.constant 0 : index
    %get3A_0 = arith.constant 0 : index
    %get3A_1 = vector.load %arg2[%get3A, %get3A_0] : memref<2176x16xf32, #tpu.memory_space<vmem>>, vector<2176x1xf32>
    %add3A = arith.constant 1.000000e+00 : f32
    %add3A_2 = vector.broadcast %add3A : f32 to vector<2176x1xf32>
    %add3A_3 = arith.addf %get3A_1, %add3A_2 : vector<2176x1xf32>
    %rsqrt3A = math.rsqrt %add3A_3 : vector<2176x1xf32>
    %get3A_4 = arith.constant 0 : index
    %get3A_5 = arith.constant 0 : index
    %get3A_6 = arith.constant 0 : index
    %get3A_7 = vector.load %arg1[%get3A_4, %get3A_5, %get3A_6] : memref<2x2176x32xf32, #tpu.memory_space<vmem>>, vector<1x2176x32xf32>
    %get3A_8 = vector.shape_cast %get3A_7 : vector<1x2176x32xf32> to vector<2176x32xf32>
    %get3A_9 = arith.constant 1 : index
    %get3A_10 = arith.constant 0 : index
    %get3A_11 = arith.constant 0 : index
    %get3A_12 = vector.load %arg1[%get3A_9, %get3A_10, %get3A_11] : memref<2x2176x32xf32, #tpu.memory_space<vmem>>, vector<1x2176x32xf32>
    %get3A_13 = vector.shape_cast %get3A_12 : vector<1x2176x32xf32> to vector<2176x32xf32>
    %concatenate3A = tpu.concatenate %get3A_8, %get3A_13 in 1 : vector<2176x32xf32>, vector<2176x32xf32> -> vector<2176x64xf32>
    %mul3A = vector.broadcast %rsqrt3A : vector<2176x1xf32> to vector<2176x64xf32>
    %mul3A_14 = arith.mulf %concatenate3A, %mul3A : vector<2176x64xf32>
    %get3A_15 = arith.constant 0 : index
    %get3A_16 = arith.constant 0 : index
    %get3A_17 = vector.load %arg5[%get3A_15, %get3A_16] : memref<1x64xf32, #tpu.memory_space<vmem>>, vector<1x64xf32>
    %add3A_18 = vector.broadcast %get3A_17 : vector<1x64xf32> to vector<2176x64xf32>
    %add3A_19 = arith.addf %mul3A_14, %add3A_18 : vector<2176x64xf32>
    %get3A_20 = arith.constant 0 : index
    %get3A_21 = arith.constant 0 : index
    %get3A_22 = vector.load %arg3[%get3A_20, %get3A_21] : memref<2176x16xf32, #tpu.memory_space<vmem>>, vector<2176x1xf32>
    %get3A_23 = arith.constant 0 : index
    %get3A_24 = arith.constant 0 : index
    %get3A_25 = arith.constant 0 : index
    %get3A_26 = vector.load %arg4[%get3A_23, %get3A_24, %get3A_25] : memref<2x2176x32xf32, #tpu.memory_space<vmem>>, vector<1x2176x32xf32>
    %get3A_27 = vector.shape_cast %get3A_26 : vector<1x2176x32xf32> to vector<2176x32xf32>
    %get3A_28 = arith.constant 1 : index
    %get3A_29 = arith.constant 0 : index
    %get3A_30 = arith.constant 0 : index
    %get3A_31 = vector.load %arg4[%get3A_28, %get3A_29, %get3A_30] : memref<2x2176x32xf32, #tpu.memory_space<vmem>>, vector<1x2176x32xf32>
    %get3A_32 = vector.shape_cast %get3A_31 : vector<1x2176x32xf32> to vector<2176x32xf32>
    %concatenate3A_33 = tpu.concatenate %get3A_27, %get3A_32 in 1 : vector<2176x32xf32>, vector<2176x32xf32> -> vector<2176x64xf32>
    %max3A = arith.constant 1.000000e+00 : f32
    %max3A_34 = vector.broadcast %max3A : f32 to vector<2176x1xf32>
    %max3A_35 = arith.maximumf %get3A_22, %max3A_34 : vector<2176x1xf32>
    %div3A = vector.broadcast %max3A_35 : vector<2176x1xf32> to vector<2176x64xf32>
    %div3A_36 = arith.divf %concatenate3A_33, %div3A : vector<2176x64xf32>
    %get3A_37 = arith.constant 0 : index
    %get3A_38 = arith.constant 0 : index
    %get3A_39 = vector.load %arg6[%get3A_37, %get3A_38] : memref<64x64xf32, #tpu.memory_space<vmem>>, vector<64x64xf32>
    %dot_general3A = arith.constant dense<0.000000e+00> : vector<2176x64xf32>
    %dot_general3A_40 = tpu.matmul %div3A_36, %get3A_39, %dot_general3A {dimension_numbers = #tpu.dot_dimension_numbers<[1], [0], [0], [1], [0, 0, 1, 1], [], []>, precision = #tpu.contract_precision<fp32>, transpose_lhs_hint = false} : vector<2176x64xf32>, vector<64x64xf32>, vector<2176x64xf32> -> vector<2176x64xf32>
    %gt3A = arith.constant 0.000000e+00 : f32
    %gt3A_41 = vector.broadcast %gt3A : f32 to vector<2176x1xf32>
    %gt3A_42 = arith.cmpf ogt, %get3A_22, %gt3A_41 : vector<2176x1xf32>
    %jit3A = arith.constant 1.000000e+00 : f32
    %jit3A_43 = arith.constant 0.000000e+00 : f32
    %broadcast_in_dim3A = vector.broadcast %jit3A : f32 to vector<2176x1xf32>
    %broadcast_in_dim3A_44 = vector.broadcast %jit3A_43 : f32 to vector<2176x1xf32>
    %select_n3A = arith.select %gt3A_42, %broadcast_in_dim3A, %broadcast_in_dim3A_44 : vector<2176x1xi1>, vector<2176x1xf32>
    %get3A_45 = arith.constant 0 : index
    %get3A_46 = arith.constant 0 : index
    %get3A_47 = vector.load %arg7[%get3A_45, %get3A_46] : memref<1x64xf32, #tpu.memory_space<vmem>>, vector<1x64xf32>
    %mul3A_48 = vector.broadcast %select_n3A : vector<2176x1xf32> to vector<2176x64xf32>
    %mul3A_49 = vector.broadcast %get3A_47 : vector<1x64xf32> to vector<2176x64xf32>
    %mul3A_50 = arith.mulf %mul3A_48, %mul3A_49 : vector<2176x64xf32>
    %add3A_51 = arith.addf %dot_general3A_40, %mul3A_50 : vector<2176x64xf32>
    %concatenate3A_52 = tpu.concatenate %add3A_19, %add3A_51 in 1 : vector<2176x64xf32>, vector<2176x64xf32> -> vector<2176x128xf32>
    %get3A_53 = arith.constant 0 : index
    %get3A_54 = arith.constant 0 : index
    %get3A_55 = vector.load %arg8[%get3A_53, %get3A_54] : memref<128x64xf32, #tpu.memory_space<vmem>>, vector<128x64xf32>
    %dot_general3A_56 = arith.constant dense<0.000000e+00> : vector<2176x64xf32>
    %dot_general3A_57 = tpu.matmul %concatenate3A_52, %get3A_55, %dot_general3A_56 {dimension_numbers = #tpu.dot_dimension_numbers<[1], [0], [0], [1], [0, 0, 1, 1], [], []>, precision = #tpu.contract_precision<fp32>, transpose_lhs_hint = false} : vector<2176x128xf32>, vector<128x64xf32>, vector<2176x64xf32> -> vector<2176x64xf32>
    %get3A_58 = arith.constant 0 : index
    %get3A_59 = arith.constant 0 : index
    %get3A_60 = vector.load %arg9[%get3A_58, %get3A_59] : memref<1x64xf32, #tpu.memory_space<vmem>>, vector<1x64xf32>
    %add3A_61 = vector.broadcast %get3A_60 : vector<1x64xf32> to vector<2176x64xf32>
    %add3A_62 = arith.addf %dot_general3A_57, %add3A_61 : vector<2176x64xf32>
    %max3A_63 = arith.constant 0.000000e+00 : f32
    %max3A_64 = vector.broadcast %max3A_63 : f32 to vector<2176x64xf32>
    %max3A_65 = arith.maximumf %add3A_62, %max3A_64 : vector<2176x64xf32>
    %get3A_66 = arith.constant 0 : index
    %get3A_67 = arith.constant 0 : index
    %get3A_68 = vector.load %arg10[%get3A_66, %get3A_67] : memref<64x1xf32, #tpu.memory_space<vmem>>, vector<64x1xf32>
    %dot_general3A_69 = arith.constant dense<0.000000e+00> : vector<2176x1xf32>
    %dot_general3A_70 = tpu.matmul %max3A_65, %get3A_68, %dot_general3A_69 {dimension_numbers = #tpu.dot_dimension_numbers<[1], [0], [0], [1], [0, 0, 1, 1], [], []>, precision = #tpu.contract_precision<fp32>, transpose_lhs_hint = false} : vector<2176x64xf32>, vector<64x1xf32>, vector<2176x1xf32> -> vector<2176x1xf32>
    %get3A_71 = arith.constant 0 : index
    %get3A_72 = arith.constant 0 : index
    %get3A_73 = vector.load %arg11[%get3A_71, %get3A_72] : memref<1x1xf32, #tpu.memory_space<vmem>>, vector<1x1xf32>
    %add3A_74 = vector.broadcast %get3A_73 : vector<1x1xf32> to vector<2176x1xf32>
    %add3A_75 = arith.addf %dot_general3A_70, %add3A_74 : vector<2176x1xf32>
    %swap3A = arith.constant 0 : index
    %swap3A_76 = arith.constant 0 : index
    %swap3A_77 = vector.load %arg12[%swap3A, %swap3A_76] : memref<2176x1xf32, #tpu.memory_space<vmem>>, vector<2176x1xf32>
    tpu.vector_store %arg12[%swap3A, %swap3A_76], %add3A_75 {strides = array<i32>} : memref<2176x1xf32, #tpu.memory_space<vmem>>, vector<2176x1xf32>,
    return
  }
  func.func @transform_0(%arg0: i32) -> (i32, i32, i32) {
    %c0_i32 = arith.constant 0 : i32
    %c0_i32_0 = arith.constant 0 : i32
    %c0_i32_1 = arith.constant 0 : i32
    return %c0_i32, %arg0, %c0_i32_0 : i32, i32, i32
  }
  func.func @transform_1(%arg0: i32) -> (i32, i32) {
    %c0_i32 = arith.constant 0 : i32
    %c0_i32_0 = arith.constant 0 : i32
    return %arg0, %c0_i32 : i32, i32
  }
  func.func @transform_2(%arg0: i32) -> (i32, i32) {
    %add3A = arith.constant 23 : i32
    %add3A_0 = arith.addi %arg0, %add3A : i32
    %c0_i32 = arith.constant 0 : i32
    %c0_i32_1 = arith.constant 0 : i32
    return %add3A_0, %c0_i32 : i32, i32
  }
  func.func @transform_3(%arg0: i32) -> (i32, i32, i32) {
    %c0_i32 = arith.constant 0 : i32
    %c0_i32_0 = arith.constant 0 : i32
    %c0_i32_1 = arith.constant 0 : i32
    return %c0_i32, %arg0, %c0_i32_0 : i32, i32, i32
  }
  func.func @transform_4(%arg0: i32) -> (i32, i32) {
    %c0_i32 = arith.constant 0 : i32
    %c0_i32_0 = arith.constant 0 : i32
    %c0_i32_1 = arith.constant 0 : i32
    return %c0_i32, %c0_i32_0 : i32, i32
  }
  func.func @transform_5(%arg0: i32) -> (i32, i32) {
    %c0_i32 = arith.constant 0 : i32
    %c0_i32_0 = arith.constant 0 : i32
    %c0_i32_1 = arith.constant 0 : i32
    return %c0_i32, %c0_i32_0 : i32, i32
  }
  func.func @transform_6(%arg0: i32) -> (i32, i32) {
    %c0_i32 = arith.constant 0 : i32
    %c0_i32_0 = arith.constant 0 : i32
    %c0_i32_1 = arith.constant 0 : i32
    return %c0_i32, %c0_i32_0 : i32, i32
  }
  func.func @transform_7(%arg0: i32) -> (i32, i32) {
    %c0_i32 = arith.constant 0 : i32
    %c0_i32_0 = arith.constant 0 : i32
    %c0_i32_1 = arith.constant 0 : i32
    return %c0_i32, %c0_i32_0 : i32, i32
  }
  func.func @transform_8(%arg0: i32) -> (i32, i32) {
    %c0_i32 = arith.constant 0 : i32
    %c0_i32_0 = arith.constant 0 : i32
    %c0_i32_1 = arith.constant 0 : i32
    return %c0_i32, %c0_i32_0 : i32, i32
  }
  func.func @transform_9(%arg0: i32) -> (i32, i32) {
    %c0_i32 = arith.constant 0 : i32
    %c0_i32_0 = arith.constant 0 : i32
    %c0_i32_1 = arith.constant 0 : i32
    return %c0_i32, %c0_i32_0 : i32, i32
  }
  func.func @transform_10(%arg0: i32) -> (i32, i32) {
    %c0_i32 = arith.constant 0 : i32
    %c0_i32_0 = arith.constant 0 : i32
    %c0_i32_1 = arith.constant 0 : i32
    return %c0_i32, %c0_i32_0 : i32, i32
  }
  func.func @transform_11(%arg0: i32) -> (i32, i32) {
    %c0_i32 = arith.constant 0 : i32
    %c0_i32_0 = arith.constant 0 : i32
    return %arg0, %c0_i32 : i32, i32
  }
}

</mosaic_0001>

<sc_bundles>
// kernel: kernel.10.cloned.1.call-start
scs
__scs_entry_jumppad:
0x0: {  	(pc) =	sbr.rel $0x88, $3  }
0x1: {  	(tag) =	ssettag $0x0;
	lr =	simm.s32 $0x1  }
0x2: {  	[smem:$0x3F8E] =	sst lr;
	_ =	strace $0xD0000000  }
0x3: {  	_ = 	snop  }
0x4: {  	_ = 	snop  }
0x5: {  	_ = 	snop  }
0x6: {  	_ = 	snop  }
0x7: {  	_ = 	snop  }
__scs_overlays_trampoline_lowered:
0x8: {  	[smem:$0x3F9D] =	sst s0  }
0x9: {  	[smem:$0x3F9E] =	sst s1  }
0xa: {  	[smem:$0x3F9F] =	sst s2  }
0xb: {  	[smem:$0x3FA0] =	sst s3  }
0xc: {  	[smem:$0x3FA1] =	sst s4  }
0xd: {  	[smem:$0x3FA2] =	sst s5  }
0xe: {  	[smem:$0x3FA3] =	sst s6  }
0xf: {  	[smem:$0x3FA4] =	sst s7  }
0x10: {  	[smem:$0x3FA5] =	sst s8  }
0x11: {  	[smem:$0x3FA6] =	sst s9;
	s0 =	simm.s32 @!p0 $0x0  }
0x12: {  	s1 =	sld [smem:$0x3F8C];
	s0 =	simm.s32 @p0 $0x1  }
0x13: {  	[smem:$0x3FA7] =	sst s0;
	s0 =	simm.s32 @!p1 $0x0  }
0x14: {  	s2 =	sld [smem:$0x3F8B];
	s0 =	simm.s32 @p1 $0x1  }
0x15: {  	[smem:$0x3FA8] =	sst s0;
	s0 =	simm.s32 @!p2 $0x0  }
0x16: {  	s3 =	sld [smem:$0x3FDB];
	s0 =	simm.s32 @p2 $0x1  }
0x17: {  	s4 =	simm.s32 $0x1BF5;
	[smem:$0x3FAA] =	sst s0  }
0x18: {  	s0 =	sld [smem:$0x3F8D];
	_ =	swait.ge [sflag:s4], $0x0  }
0x19: {  	s7 =	sld [smem:$0x3F8E]  }
0x1a: {  	s8 =	sadd.s32 $0xFFFFE003, lr  }
0x1b: {  	s9 =	sadd.s32 $0xFFFFFEF7, lr;
	s5 =	simm.s32 $0xFFFFFFFF;
	p2 =	slt.u32 s8, $0xFFFFF086  }
0x1c: {  	p1 =	slt.u32 s9, $0xF7A;
	s5 =	simm.s32 @!p2 $0x0  }
0x1d: {  	s5 =	simm.s32 @p1 $0x1;
	p0 =	seq.s32 s7, s2  }
0x1e: {  	s7 =	smul.u32 @!p0 $0xF7A, s2;
	p2 =	seq.s32 @!p0 s5, $0x0  }
0x1f: {  	s9 =	smul.u32 $0xF7A, s1;
	s8 =	simm.s32 @!p0 $0x1BF5;
	p2 =	por !p2, p0  }
0x20: {  	[sflag:s8] =	ssyncset.s32 @!p0 $0xFFFFF086;
	s6 =	sadd.s32 @!p0 s3, s7;
	s7 =	simm.s32 @!p0 $0x108  }
0x21: {  	s3 =	sadd.s32 s3, s9;
	s6 =	sadd.s32 @!p0 $0x88, s6;
	s7 =	simm.s32 @p2 $0x1082  }
0x22: {  	[simem:s7], [sflag:s8] =	dma.local @!p0 [hbm:s6], $0xF7A  }
0x23: {  	s9 =	sor.u32 $0xD0000000, s2;
	s6 =	simm.s32 $0x108;
	_ =	swait.ge @!p0 [sflag:s8], $0x0  }
0x24: {  	s3 =	sadd.s32 $0x88, s3;
	s6 =	simm.s32 @!p1 $0x1082;
	[sflag:s4] =	ssyncset.s32 $0xFFFFF086  }
0x25: {  	[simem:s6], [sflag:s4] =	dma.local [hbm:s3], $0xF7A  }
0x26: {  	[smem:$0x3F8E] =	sst s1;
	(tag) =	ssettag s2;
	_ =	strace s9  }
0x27: {  	s1 =	sld [smem:$0x3F9E]  }
0x28: {  	s2 =	sld [smem:$0x3F9F]  }
0x29: {  	s4 =	sld [smem:$0x3FA1]  }
0x2a: {  	p0 =	seq.s32 s5, $0x0;
	s5 =	sld [smem:$0x3FA2]  }
0x2b: {  	s6 =	sld [smem:$0x3FA3]  }
0x2c: {  	s7 =	sld [smem:$0x3FA4]  }
0x2d: {  	s3 =	simm.s32 $0x108;
	s8 =	sld [smem:$0x3FA5]  }
0x2e: {  	s3 =	simm.s32 @!p0 $0x1082;
	s9 =	sld [smem:$0x3FA6]  }
0x2f: {  	lr =	sadd.s32 s0, s3;
	s0 =	sld [smem:$0x3F9D]  }
0x30: {  	s3 =	sld [smem:$0x3FA0]  }
0x31: {  	[smem:$0x3FA9] =	sst s10  }
0x32: {  	s10 =	sld [smem:$0x3FA7];
	_ =	sdelay $0x3  }
0x33: {  	p0 =	seq.s32 s10, $0x1;
	s10 =	sld [smem:$0x3FA9];
	_ =	sdelay $0x3  }
0x34: {  	[smem:$0x3FA9] =	sst s10  }
0x35: {  	s10 =	sld [smem:$0x3FA8];
	_ =	sdelay $0x3  }
0x36: {  	p1 =	seq.s32 s10, $0x1;
	s10 =	sld [smem:$0x3FA9];
	_ =	sdelay $0x3  }
0x37: {  	[smem:$0x3FA9] =	sst s10  }
0x38: {  	s10 =	sld [smem:$0x3FAA]  }
0x39: {  	_ = 	snop;
	(pc) =	sbr.ind lr, $3  }
0x3a: {  	_ = 	snop  }
0x3b: {  	_ = 	snop  }
0x3c: {  	p2 =	seq.s32 s10, $0x1;
	s10 =	sld [smem:$0x3FA9]  }
0x3d: {  	_ =	shalt  }
0x3e: {  	_ =	shalt  }
0x3f: {  	_ =	shalt  }
0x40: {  	_ =	shalt  }
0x41: {  	_ =	shalt  }
0x42: {  	_ =	shalt  }
0x43: {  	_ =	shalt  }
0x44: {  	_ =	shalt  }
0x45: {  	_ =	shalt  }
0x46: {  	_ =	shalt  }
0x47: {  	_ =	shalt  }
0x48: {  	_ =	shalt  }
0x49: {  	_ =	shalt  }
0x4a: {  	_ =	shalt  }
0x4b: {  	_ =	shalt  }
0x4c: {  	_ =	shalt  }
0x4d: {  	_ =	shalt  }
0x4e: {  	_ =	shalt  }
0x4f: {  	_ =	shalt  }
0x50: {  	_ =	shalt  }
0x51: {  	_ =	shalt  }
0x52: {  	_ =	shalt  }
0x53: {  	_ =	shalt  }
0x54: {  	_ =	shalt  }
0x55: {  	_ =	shalt  }
0x56: {  	_ =	shalt  }
0x57: {  	_ =	shalt  }
0x58: {  	_ =	shalt  }
0x59: {  	_ =	shalt  }
0x5a: {  	_ =	shalt  }
0x5b: {  	_ =	shalt  }
0x5c: {  	_ =	shalt  }
0x5d: {  	_ =	shalt  }
0x5e: {  	_ =	shalt  }
0x5f: {  	_ =	shalt  }
0x60: {  	_ =	shalt  }
0x61: {  	_ =	shalt  }
0x62: {  	_ =	shalt  }
0x63: {  	_ =	shalt  }
0x64: {  	_ =	shalt  }
0x65: {  	_ =	shalt  }
0x66: {  	_ =	shalt  }
0x67: {  	_ =	shalt  }
0x68: {  	_ =	shalt  }
0x69: {  	_ =	shalt  }
0x6a: {  	_ =	shalt  }
0x6b: {  	_ =	shalt  }
0x6c: {  	_ =	shalt  }
0x6d: {  	_ =	shalt  }
0x6e: {  	_ =	shalt  }
0x6f: {  	_ =	shalt  }
0x70: {  	_ =	shalt  }
0x71: {  	_ =	shalt  }
0x72: {  	_ =	shalt  }
0x73: {  	_ =	shalt  }
0x74: {  	_ =	shalt  }
0x75: {  	_ =	shalt  }
0x76: {  	_ =	shalt  }
0x77: {  	_ =	shalt  }
0x78: {  	_ =	shalt  }
0x79: {  	_ =	shalt  }
0x7a: {  	_ =	shalt  }
0x7b: {  	_ =	shalt  }
0x7c: {  	_ =	shalt  }
0x7d: {  	_ =	shalt  }
0x7e: {  	_ =	shalt  }
0x7f: {  	_ =	shalt  }
0x80: {  	_ =	shalt  }
0x81: {  	_ =	shalt  }
0x82: {  	_ =	shalt  }
0x83: {  	_ =	shalt  }
0x84: {  	_ =	shalt  }
0x85: {  	_ =	shalt  }
0x86: {  	_ =	shalt  }
0x87: {  	_ =	shalt  }
.Lfunc_end0:
.L_simem_size_0:
called_computation_lowered:
.L_overlay_start_0:
0x88: {  	s2 =	sld [smem:$0x3FD9]  }
0x89: {  	s3 =	sld [smem:$0x3FFE];
	_ =	sdelay $0x1  }
0x8a: {  	s1 =	srdreg.scid  }
0x8b: {  	s0 =	sand.u32 $0x1, s1  }
0x8c: {  	s17 =	sshll.u32 s0, $0xA;
	s2 =	sadd.s32 s3, s2  }
0x8d: {  	s2 =	sadd.s32 s2, s17  }
0x8e: {  	[smem:$0x3FB5] =	sst s2  }
0x8f: {  	_ = 	snop  }
0x90: {  	s2 =	sld [smem:$0x3FD0];
	(tm) =	ssettm $0x1  }
0x91: {  	s18 =	sld [smem:$0x3FFB];
	_ =	sdelay $0x3  }
0x92: {  	_ =	strace s18  }
0x93: {  	s3 =	sld [smem:$0x3FFC];
	_ =	sdelay $0x3  }
0x94: {  	_ =	strace s3  }
0x95: {  	s3 =	sld [smem:$0x3FFD];
	_ =	sdelay $0x3  }
0x96: {  	_ =	strace s3  }
0x97: {  	_ =	strace $0x8FFFFFFF  }
0x98: {  	s19 =	sld [smem:$0x3FDB];
	_ =	sdelay $0x1  }
0x99: {  	s4 =	simm.s32 $_scs_section_size  }
0x9a: {  	s5 =	simm.s32 $_size__tile_overlayer_lowered;
	s6 =	simm.s32 $_tile_overlayer_lowered  }
0x9b: {  	s22 =	simm.s32 $0x1BFF;
	s21 =	sshll.u32 s6, $0x1;
	s3 =	sadd.s32 s4, s19  }
0x9c: {  	s7 =	simm.s32 $0x0;
	s20 =	sshll.u32 s5, $0x1;
	s5 =	sadd.s32 s21, s3  }
0x9d: {  	[timem:s7], [sflag:s22] =	dma.local [hbm:s5], s20  }
0x9e: {  	_ =	swait.ge [sflag:s22], s20  }
0x9f: {  	s4 =	ssub.s32 $0x0, s20;
	[sflag:s22] =	ssyncset.done $0x0  }
0xa0: {  	[sflag:s22] =	ssyncadd.s32 s4;
	_ =	sdelay $0x1  }
0xa1: {  	s23 =	simm.s32 $0x1B8B  }
0xa2: {  	_ =	swait.ge [sflag:s23], $0x1  }
0xa3: {  	[sflag:s23] =	ssyncset.done $0x0  }
0xa4: {  	s25 =	simm.s32 $0x1B8E;
	s24 =	sld [smem:$0x3FFE];
	[sflag:s23] =	ssyncadd.s32 $0xFFFFFFFF  }
0xa5: {  	s26 =	simm.s32 $execute0_lowered;
	[smem:$0x3FD2] =	sst s25  }
0xa6: {  	s5 =	sshll.u32 s26, $0x1;
	_ =	strace $0x80000046;
	[dreg:$0x1] =	wrdreg $0xFFFFFFFF  }
0xa7: {  	s28 =	simm.s32 $_size_execute0_lowered;
	s3 =	sadd.s32 s3, s5;
	[dreg:$0x0] =	wrdreg $0x0  }
0xa8: {  	s5 =	sshll.u32 s28, $0x1;
	[dreg:$0x2] =	wrdreg s3  }
0xa9: {  	[dreg:$0x3] =	wrdreg s5  }
0xaa: {  	[dreg:$0x4] =	wrdreg $0xC0  }
0xab: {  	_ =	task [dreg:s7], $0x5FFFF  }
0xac: {  	[dreg:$0x1] =	wrdreg $0xFFFFFFFF  }
0xad: {  	[dreg:$0x0] =	wrdreg $0x60  }
0xae: {  	[dreg:$0x2] =	wrdreg s24  }
0xaf: {  	[dreg:$0x3] =	wrdreg s2  }
0xb0: {  	[dreg:$0x4] =	wrdreg $0xD480  }
0xb1: {  	[dreg:$0x5] =	wrdreg $0x9  }
0xb2: {  	_ =	task.clear_ibuf [dreg:s7], $0x6FFFF;
	_ =	strace $0x90000046  }
0xb3: {  	s29 =	simm.s32 $0x9;
	_ =	strace $0x80000048  }
0xb4: {  	_ =	swait.ge [sflag:s29], $0x1  }
0xb5: {  	[sflag:s29] =	ssyncadd.s32 $0xFFFFFFFF  }
0xb6: {  	_ =	strace $0x90000048  }
0xb7: {  	_ =	sfence  }
0xb8: {  	s30 =	sld [smem:$0x0];
	_ =	sdelay $0x2  }
0xb9: {  	s31 =	sshll.u32 s1, $0xD;
	s1 =	sshrl.u32 s1, $0x2  }
0xba: {  	s3 =	sand.u32 $0x4000, s31;
	s1 =	sadd.s32 s1, s30  }
0xbb: {  	s0 =	sor.u32 s3, s0;
	s1 =	sshll.u32 s1, $0x11  }
0xbc: {  	s0 =	sor.u32 s1, s0  }
0xbd: {  	s0 =	sadd.s32 $0x8F2B, s0  }
0xbe: {  	[sflag:s0] =	ssyncadd.remote.s32 $0x1  }
0xbf: {  	_ =	sfence.sel $0xFFFF  }
0xc0: {  	[dreg:$0x0] =	wrdreg $0xFFFFFFFF;
	(pc) =	sbr.abs _section_cstart, $3  }
0xc1: {  	[dreg:$0x1] =	wrdreg $0xFFFFFFFF  }
0xc2: {  	_ =	task.clear_ibuf [dreg:s7], $0x2FFFF;
	_ =	strace $0x9FFFFFFF  }
0xc3: {  	(tm) =	ssettm $0x7FFFFFFF  }
tec
execute0_lowered:
.L_overlay_start_1:
0x0: {  	(tag) =	ssettag $0x1  }
0x1: {  	s5 =	rddreg [dreg:$0x0];
	s1 =	srdreg.scid  }
0x2: {  	s0 =	stileid.u32;
	s2 =	rddreg [dreg:$0x1]  }
0x3: {  	s3 =	rddreg [dreg:$0x2];
	s7 =	smul.u32 $0xC350, s0  }
0x4: {  	s4 =	simm.s32 $0x0;
	s13 =	simm.s32 $0x0;
	s9 =	smul.u32 $0xC380, s0  }
0x5: {  	s6 =	sand.u32 $0x1, s1;
	s1 =	rddreg [dreg:$0x3];
	s26 =	smul.u32 $0x1870, s0  }
0x6: {  	[smem:$0x7FF] =	sst s4;
	s31 =	sshll.u32 s0, $0x6;
	s8 =	smul.u32 $0xC3500, s6  }
0x7: {  	s10 =	smul.u32 $0x18700, s6;
	_ =	strace $0x80000047;
	s6 =	ssub.s32 $0x2, s6  }
0x8: {  	s28 =	sshrl.u32 s9, $0x3;
	s29 =	sshrl.u32 s6, $0x1;
	s12 =	sadd.s32 s9, s3  }
0x9: {  	s9 =	simm.s32 $0xC8;
	s7 =	sadd.s32 s7, s8;
	s8 =	sadd.s32 s26, s10  }
0xa: {  	s30 =	ssub.s32 s6, s29;
	s10 =	simm.s32 $0x1;
	s7 =	sshrl.u32 s7, $0x3  }
0xb: {  	s8 =	sadd.s32 s8, s5;
	s11 =	sadd.s32 s7, s5;
	s7 =	sadd.s32 s28, s5  }
0xc: {  	s12 =	sshrl.u32 s12, $0x3;
	s6 =	sadd.s32 $0xAFC00, s8;
	s5 =	sadd.s32 $0x97400, s7  }
0xd: {  	s7 =	smax.u32 s30, $0x1;
	s8 =	sadd.s32 $0x35800, s11;
	s11 =	sor.u32 $0x1C01, s31  }
.LBB2_1:
0xe: {  	[tilespmem:s9], [sflag:$0x1] =	stream.linear.gather [hbm4b:s2+s4], $0xC80, $0x38;
	[tilespmem:$0xD0C8] =	vst v63  }
0xf: {  	_ =	swait.ge [sflag:s10], $0xC80  }
0x10: {  	[sflag:s10] =	ssyncset.done $0x0  }
0x11: {  	[sflag:s10] =	ssyncadd.s32 $0xFFFFF380  }
0x12: {  	[spmem:s12], [sflag:s11] =	dma.local [hbm:s5], $0x1870  }
0x13: {  	_ =	swait.ge [sflag:s10], $0x1870  }
0x14: {  	[sflag:s10] =	ssyncset.done $0x0  }
0x15: {  	[sflag:s10] =	ssyncadd.s32 $0xFFFFE790  }
0x16: {  	s14 =	sadd.s32 $0x0, s8;
	[bflag:$0x0] =	sbarrier.arrive $0xFFFF  }
0x17: {  	[tilespmem:s4], [sflag:$0x1] =	stream.linear.gather [hbm4b:s14+s4], $0xC8, $0x38;
	[tilespmem:$0xD0C8] =	vst v63  }
0x18: {  	_ =	swait.ge [sflag:s10], $0xC8  }
0x19: {  	[sflag:s10] =	ssyncset.done $0x0  }
0x1a: {  	[sflag:s10] =	ssyncadd.s32 $0xFFFFFF38  }
0x1b: {  	[spmem:s3] =	stream.indirect.scatter.add.f32 [tilespmem:s9], [sflag:$0x1], $0x10, s4, s9, $0xb8;
	[tilespmem:$0xD0C8] =	vst v63  }
0x1c: {  	_ =	swait.ge [sflag:s10], $0xC80  }
0x1d: {  	s15 =	simm.s32 $0x32;
	s14 =	simm.s32 $0x19;
	[sflag:s10] =	ssyncset.done $0x0  }
.LBB2_2:
0x1e: {  	s16 =	sadd.s32 s14, s8  }
0x1f: {  	[sflag:s10] =	ssyncadd.s32 $0xFFFFF380;
	s14 =	smov.u32 s15;
	s17 =	sadd.s32 $0x19, s15  }
0x20: {  	[tilespmem:s4], [sflag:$0x1] =	stream.linear.gather [hbm4b:s16+s4], $0xC8, $0x38;
	[tilespmem:$0xD0C8] =	vst v63  }
0x21: {  	p0 =	sne.s32 s15, $0x1851;
	_ =	swait.ge [sflag:s10], $0xC8  }
.Ltmp0:
0x22: {  	[sflag:s10] =	ssyncset.done $0x0;
	(pc) =	sbr.rel @p0 .LBB2_2-.Ltmp0, $4  }
0x23: {  	[sflag:s10] =	ssyncadd.s32 $0xFFFFFF38  }
0x24: {  	[spmem:s3] =	stream.indirect.scatter.add.f32 [tilespmem:s9], [sflag:$0x1], $0x10, s4, s9, $0xb8;
	[tilespmem:$0xD0C8] =	vst v63  }
0x25: {  	_ =	swait.ge [sflag:s10], $0xC80  }
0x26: {  	s15 =	smov.u32 s17;
	[sflag:s10] =	ssyncset.done $0x0  }
0x27: {  	s14 =	sadd.s32 s14, s8;
	[sflag:s10] =	ssyncadd.s32 $0xFFFFF380  }
0x28: {  	[tilespmem:s4], [sflag:$0x1] =	stream.linear.gather [hbm4b:s14+s4], $0xC8, $0x38;
	[tilespmem:$0xD0C8] =	vst v63  }
0x29: {  	_ =	swait.ge [sflag:s10], $0xC8  }
0x2a: {  	[sflag:s10] =	ssyncset.done $0x0  }
0x2b: {  	[sflag:s10] =	ssyncadd.s32 $0xFFFFFF38  }
0x2c: {  	[spmem:s3] =	stream.indirect.scatter.add.f32 [tilespmem:s9], [sflag:$0x1], $0x10, s4, s9, $0xb8;
	[tilespmem:$0xD0C8] =	vst v63  }
0x2d: {  	_ =	swait.ge [sflag:s10], $0xC80  }
0x2e: {  	s13 =	sadd.s32 $0x1, s13;
	[sflag:s10] =	ssyncset.done $0x0  }
0x2f: {  	p0 =	sne.s32 s13, s7;
	[sflag:s10] =	ssyncadd.s32 $0xFFFFF380  }
.Ltmp1:
0x30: {  	[bflag:$0x0] =	sbarrier.arrive $0xFFFF;
	(pc) =	sbr.rel @p0 .LBB2_1-.Ltmp1, $4  }
0x31: {  	[hbm:s6], [sflag:s11] =	dma.local [spmem:s12], $0x1870  }
0x32: {  	_ =	swait.ge [sflag:s10], $0x1870  }
0x33: {  	[sflag:s10] =	ssyncset.done $0x0  }
0x34: {  	[sflag:s10] =	ssyncadd.s32 $0xFFFFE790  }
0x35: {  	_ =	sfence.sel $0x180000  }
0x36: {  	[bflag:$0x0] =	sbarrier.arrive $0xFFFF  }
0x37: {  	p0 =	sne.s32 s0, $0x0;
	_ =	strace $0x90000047  }
0x38: {  	s0 =	sadd.s32 @!p0 $0x100000, s1;
	[bflag:$0x2] =	sbarrier.arrive $0xFFFF  }
0x39: {  	[sflag:s0] =	ssyncadd.tile.s32 @!p0 $0x1;
	_ =	shalt  }
.Lfunc_end2:
_tile_overlayer_lowered:
.L_overlay_start_2:
0x3a: {  	(tag) =	ssettag $0x2  }
0x3b: {  	s0 =	rddreg [dreg:$0x0];
	s2 =	stileid.u32  }
0x3c: {  	s1 =	rddreg [dreg:$0x1];
	p0 =	sne.s32 s2, $0x0  }
0x3d: {  	s3 =	rddreg [dreg:$0x2];
	[bflag:$0x3] =	sbarrier.arrive $0xFFFF;
	s2 =	simm.s32 @!p0 $0x1C01  }
0x3e: {  	[timem:s3], [sflag:s2] =	dma.local @!p0 [hbm:s0], s1  }
0x3f: {  	s0 =	simm.s32 @!p0 $0x1  }
0x40: {  	_ =	swait.ge @!p0 [sflag:s0], s1  }
0x41: {  	s1 =	ssub.s32 @!p0 $0x0, s1;
	[sflag:s0] =	ssyncset.done @!p0 $0x0  }
0x42: {  	[sflag:s0] =	ssyncadd.s32 @!p0 s1  }
0x43: {  	[bflag:$0x3] =	sbarrier.arrive $0xFFFF  }
0x44: {  	_ =	shalt  }

// kernel: kernel.13.cloned.1.call-start
scs
__scs_entry_jumppad:
0x0: {  	(pc) =	sbr.rel $0x88, $3  }
0x1: {  	(tag) =	ssettag $0x0;
	lr =	simm.s32 $0x1  }
0x2: {  	[smem:$0x3F8E] =	sst lr;
	_ =	strace $0xD0000000  }
0x3: {  	_ = 	snop  }
0x4: {  	_ = 	snop  }
0x5: {  	_ = 	snop  }
0x6: {  	_ = 	snop  }
0x7: {  	_ = 	snop  }
__scs_overlays_trampoline_lowered:
0x8: {  	[smem:$0x3F9D] =	sst s0  }
0x9: {  	[smem:$0x3F9E] =	sst s1  }
0xa: {  	[smem:$0x3F9F] =	sst s2  }
0xb: {  	[smem:$0x3FA0] =	sst s3  }
0xc: {  	[smem:$0x3FA1] =	sst s4  }
0xd: {  	[smem:$0x3FA2] =	sst s5  }
0xe: {  	[smem:$0x3FA3] =	sst s6  }
0xf: {  	[smem:$0x3FA4] =	sst s7  }
0x10: {  	[smem:$0x3FA5] =	sst s8  }
0x11: {  	[smem:$0x3FA6] =	sst s9;
	s0 =	simm.s32 @!p0 $0x0  }
0x12: {  	s1 =	sld [smem:$0x3F8C];
	s0 =	simm.s32 @p0 $0x1  }
0x13: {  	[smem:$0x3FA7] =	sst s0;
	s0 =	simm.s32 @!p1 $0x0  }
0x14: {  	s2 =	sld [smem:$0x3F8B];
	s0 =	simm.s32 @p1 $0x1  }
0x15: {  	[smem:$0x3FA8] =	sst s0;
	s0 =	simm.s32 @!p2 $0x0  }
0x16: {  	s3 =	sld [smem:$0x3FDB];
	s0 =	simm.s32 @p2 $0x1  }
0x17: {  	s4 =	simm.s32 $0x1BF5;
	[smem:$0x3FAA] =	sst s0  }
0x18: {  	s0 =	sld [smem:$0x3F8D];
	_ =	swait.ge [sflag:s4], $0x0  }
0x19: {  	s7 =	sld [smem:$0x3F8E]  }
0x1a: {  	s8 =	sadd.s32 $0xFFFFE003, lr  }
0x1b: {  	s9 =	sadd.s32 $0xFFFFFEF7, lr;
	s5 =	simm.s32 $0xFFFFFFFF;
	p2 =	slt.u32 s8, $0xFFFFF086  }
0x1c: {  	p1 =	slt.u32 s9, $0xF7A;
	s5 =	simm.s32 @!p2 $0x0  }
0x1d: {  	s5 =	simm.s32 @p1 $0x1;
	p0 =	seq.s32 s7, s2  }
0x1e: {  	s7 =	smul.u32 @!p0 $0xF7A, s2;
	p2 =	seq.s32 @!p0 s5, $0x0  }
0x1f: {  	s9 =	smul.u32 $0xF7A, s1;
	s8 =	simm.s32 @!p0 $0x1BF5;
	p2 =	por !p2, p0  }
0x20: {  	[sflag:s8] =	ssyncset.s32 @!p0 $0xFFFFF086;
	s6 =	sadd.s32 @!p0 s3, s7;
	s7 =	simm.s32 @!p0 $0x108  }
0x21: {  	s3 =	sadd.s32 s3, s9;
	s6 =	sadd.s32 @!p0 $0x88, s6;
	s7 =	simm.s32 @p2 $0x1082  }
0x22: {  	[simem:s7], [sflag:s8] =	dma.local @!p0 [hbm:s6], $0xF7A  }
0x23: {  	s9 =	sor.u32 $0xD0000000, s2;
	s6 =	simm.s32 $0x108;
	_ =	swait.ge @!p0 [sflag:s8], $0x0  }
0x24: {  	s3 =	sadd.s32 $0x88, s3;
	s6 =	simm.s32 @!p1 $0x1082;
	[sflag:s4] =	ssyncset.s32 $0xFFFFF086  }
0x25: {  	[simem:s6], [sflag:s4] =	dma.local [hbm:s3], $0xF7A  }
0x26: {  	[smem:$0x3F8E] =	sst s1;
	(tag) =	ssettag s2;
	_ =	strace s9  }
0x27: {  	s1 =	sld [smem:$0x3F9E]  }
0x28: {  	s2 =	sld [smem:$0x3F9F]  }
0x29: {  	s4 =	sld [smem:$0x3FA1]  }
0x2a: {  	p0 =	seq.s32 s5, $0x0;
	s5 =	sld [smem:$0x3FA2]  }
0x2b: {  	s6 =	sld [smem:$0x3FA3]  }
0x2c: {  	s7 =	sld [smem:$0x3FA4]  }
0x2d: {  	s3 =	simm.s32 $0x108;
	s8 =	sld [smem:$0x3FA5]  }
0x2e: {  	s3 =	simm.s32 @!p0 $0x1082;
	s9 =	sld [smem:$0x3FA6]  }
0x2f: {  	lr =	sadd.s32 s0, s3;
	s0 =	sld [smem:$0x3F9D]  }
0x30: {  	s3 =	sld [smem:$0x3FA0]  }
0x31: {  	[smem:$0x3FA9] =	sst s10  }
0x32: {  	s10 =	sld [smem:$0x3FA7];
	_ =	sdelay $0x3  }
0x33: {  	p0 =	seq.s32 s10, $0x1;
	s10 =	sld [smem:$0x3FA9];
	_ =	sdelay $0x3  }
0x34: {  	[smem:$0x3FA9] =	sst s10  }
0x35: {  	s10 =	sld [smem:$0x3FA8];
	_ =	sdelay $0x3  }
0x36: {  	p1 =	seq.s32 s10, $0x1;
	s10 =	sld [smem:$0x3FA9];
	_ =	sdelay $0x3  }
0x37: {  	[smem:$0x3FA9] =	sst s10  }
0x38: {  	s10 =	sld [smem:$0x3FAA]  }
0x39: {  	_ = 	snop;
	(pc) =	sbr.ind lr, $3  }
0x3a: {  	_ = 	snop  }
0x3b: {  	_ = 	snop  }
0x3c: {  	p2 =	seq.s32 s10, $0x1;
	s10 =	sld [smem:$0x3FA9]  }
0x3d: {  	_ =	shalt  }
0x3e: {  	_ =	shalt  }
0x3f: {  	_ =	shalt  }
0x40: {  	_ =	shalt  }
0x41: {  	_ =	shalt  }
0x42: {  	_ =	shalt  }
0x43: {  	_ =	shalt  }
0x44: {  	_ =	shalt  }
0x45: {  	_ =	shalt  }
0x46: {  	_ =	shalt  }
0x47: {  	_ =	shalt  }
0x48: {  	_ =	shalt  }
0x49: {  	_ =	shalt  }
0x4a: {  	_ =	shalt  }
0x4b: {  	_ =	shalt  }
0x4c: {  	_ =	shalt  }
0x4d: {  	_ =	shalt  }
0x4e: {  	_ =	shalt  }
0x4f: {  	_ =	shalt  }
0x50: {  	_ =	shalt  }
0x51: {  	_ =	shalt  }
0x52: {  	_ =	shalt  }
0x53: {  	_ =	shalt  }
0x54: {  	_ =	shalt  }
0x55: {  	_ =	shalt  }
0x56: {  	_ =	shalt  }
0x57: {  	_ =	shalt  }
0x58: {  	_ =	shalt  }
0x59: {  	_ =	shalt  }
0x5a: {  	_ =	shalt  }
0x5b: {  	_ =	shalt  }
0x5c: {  	_ =	shalt  }
0x5d: {  	_ =	shalt  }
0x5e: {  	_ =	shalt  }
0x5f: {  	_ =	shalt  }
0x60: {  	_ =	shalt  }
0x61: {  	_ =	shalt  }
0x62: {  	_ =	shalt  }
0x63: {  	_ =	shalt  }
0x64: {  	_ =	shalt  }
0x65: {  	_ =	shalt  }
0x66: {  	_ =	shalt  }
0x67: {  	_ =	shalt  }
0x68: {  	_ =	shalt  }
0x69: {  	_ =	shalt  }
0x6a: {  	_ =	shalt  }
0x6b: {  	_ =	shalt  }
0x6c: {  	_ =	shalt  }
0x6d: {  	_ =	shalt  }
0x6e: {  	_ =	shalt  }
0x6f: {  	_ =	shalt  }
0x70: {  	_ =	shalt  }
0x71: {  	_ =	shalt  }
0x72: {  	_ =	shalt  }
0x73: {  	_ =	shalt  }
0x74: {  	_ =	shalt  }
0x75: {  	_ =	shalt  }
0x76: {  	_ =	shalt  }
0x77: {  	_ =	shalt  }
0x78: {  	_ =	shalt  }
0x79: {  	_ =	shalt  }
0x7a: {  	_ =	shalt  }
0x7b: {  	_ =	shalt  }
0x7c: {  	_ =	shalt  }
0x7d: {  	_ =	shalt  }
0x7e: {  	_ =	shalt  }
0x7f: {  	_ =	shalt  }
0x80: {  	_ =	shalt  }
0x81: {  	_ =	shalt  }
0x82: {  	_ =	shalt  }
0x83: {  	_ =	shalt  }
0x84: {  	_ =	shalt  }
0x85: {  	_ =	shalt  }
0x86: {  	_ =	shalt  }
0x87: {  	_ =	shalt  }
.Lfunc_end0:
.L_simem_size_0:
called_computation.1_lowered:
.L_overlay_start_0:
0x88: {  	s2 =	sld [smem:$0x3FD9]  }
0x89: {  	s3 =	sld [smem:$0x3FFE];
	_ =	sdelay $0x1  }
0x8a: {  	s1 =	srdreg.scid  }
0x8b: {  	s0 =	sand.u32 $0x1, s1  }
0x8c: {  	s17 =	sshll.u32 s0, $0xA;
	s2 =	sadd.s32 s3, s2  }
0x8d: {  	s2 =	sadd.s32 s2, s17  }
0x8e: {  	[smem:$0x3FB5] =	sst s2  }
0x8f: {  	_ = 	snop  }
0x90: {  	(tm) =	ssettm $0x1  }
0x91: {  	s18 =	sld [smem:$0x3FFB];
	_ =	sdelay $0x3  }
0x92: {  	_ =	strace s18  }
0x93: {  	s2 =	sld [smem:$0x3FFC];
	_ =	sdelay $0x3  }
0x94: {  	_ =	strace s2  }
0x95: {  	s2 =	sld [smem:$0x3FFD];
	_ =	sdelay $0x3  }
0x96: {  	_ =	strace s2  }
0x97: {  	_ =	strace $0x8FFFFFFF  }
0x98: {  	s19 =	sld [smem:$0x3FDB];
	_ =	sdelay $0x1  }
0x99: {  	s20 =	simm.s32 $_scs_section_size  }
0x9a: {  	s4 =	simm.s32 $_size__tile_overlayer_lowered;
	s5 =	simm.s32 $_tile_overlayer_lowered  }
0x9b: {  	s6 =	simm.s32 $0x1BFF;
	s21 =	sshll.u32 s5, $0x1;
	s3 =	sadd.s32 s20, s19  }
0x9c: {  	s22 =	simm.s32 $0x0;
	s4 =	sshll.u32 s4, $0x1;
	s5 =	sadd.s32 s21, s3  }
0x9d: {  	[timem:s22], [sflag:s6] =	dma.local [hbm:s5], s4  }
0x9e: {  	_ =	swait.ge [sflag:s6], s4  }
0x9f: {  	s4 =	ssub.s32 $0x0, s4;
	[sflag:s6] =	ssyncset.done $0x0  }
0xa0: {  	[sflag:s6] =	ssyncadd.s32 s4;
	_ =	sdelay $0x1  }
0xa1: {  	s23 =	simm.s32 $0x1B8B  }
0xa2: {  	_ =	swait.ge [sflag:s23], $0x1  }
0xa3: {  	[sflag:s23] =	ssyncset.done $0x0  }
0xa4: {  	[sflag:s23] =	ssyncadd.s32 $0xFFFFFFFF  }
0xa5: {  	s4 =	sld [smem:$0x0]  }
0xa6: {  	s5 =	sand.u32 $0xFFFFFFFE, s1  }
0xa7: {  	p0 =	sne.s32 s1, s5  }
0xa8: {  	s5 =	sshll.u32 @p0 s5, $0xE  }
0xa9: {  	s5 =	sadd.s32 @p0 $0x11B8D, s5;
	s6 =	sshll.u32 @p0 s4, $0x11  }
0xaa: {  	s5 =	sor.u32 @p0 s6, s5  }
0xab: {  	[sflag:s5] =	ssyncadd.remote.s32 @p0 $0x1;
	_ =	sdelay $0x1  }
0xac: {  	s5 =	simm.s32 @p0 $0x1B8D  }
0xad: {  	_ =	swait.eq @p0 [sflag:s5], $0x1  }
0xae: {  	[sflag:s5] =	ssyncadd.s32 @p0 $0xFFFFFFFF  }
0xaf: {  	s6 =	sshll.u32 @!p0 s1, $0xE  }
0xb0: {  	s6 =	sor.u32 @!p0 $0x4000, s6;
	s5 =	simm.s32 @!p0 $0x1B8D  }
0xb1: {  	s4 =	sshll.u32 @!p0 s4, $0x11;
	s6 =	sadd.s32 @!p0 $0x11B8D, s6;
	_ =	swait.eq @!p0 [sflag:s5], $0x1  }
0xb2: {  	s4 =	sor.u32 @!p0 s4, s6;
	[sflag:s5] =	ssyncadd.s32 @!p0 $0xFFFFFFFF  }
0xb3: {  	s25 =	simm.s32 $0x1B8E;
	s24 =	sld [smem:$0x3FFE];
	[sflag:s4] =	ssyncadd.remote.s32 @!p0 $0x1  }
0xb4: {  	s26 =	simm.s32 $execute0_lowered;
	[smem:$0x3FD2] =	sst s25  }
0xb5: {  	s5 =	sshll.u32 s26, $0x1;
	_ =	strace $0x8000004C;
	[dreg:$0x1] =	wrdreg $0xFFFFFFFF  }
0xb6: {  	s28 =	simm.s32 $_size_execute0_lowered;
	s3 =	sadd.s32 s3, s5;
	[dreg:$0x0] =	wrdreg $0x0  }
0xb7: {  	s5 =	sshll.u32 s28, $0x1;
	[dreg:$0x2] =	wrdreg s3  }
0xb8: {  	[dreg:$0x3] =	wrdreg s5  }
0xb9: {  	[dreg:$0x4] =	wrdreg $0xC0  }
0xba: {  	_ =	task [dreg:s22], $0x5FFFF  }
0xbb: {  	[dreg:$0x1] =	wrdreg $0xFFFFFFFF  }
0xbc: {  	[dreg:$0x0] =	wrdreg $0x60  }
0xbd: {  	[dreg:$0x2] =	wrdreg s24  }
0xbe: {  	[dreg:$0x3] =	wrdreg $0x19C80  }
0xbf: {  	[dreg:$0x4] =	wrdreg $0x9  }
0xc0: {  	_ =	task.clear_ibuf [dreg:s22], $0x5FFFF;
	_ =	strace $0x9000004C  }
0xc1: {  	s29 =	simm.s32 $0x9;
	_ =	strace $0x8000004E  }
0xc2: {  	_ =	swait.ge [sflag:s29], $0x1  }
0xc3: {  	[sflag:s29] =	ssyncadd.s32 $0xFFFFFFFF  }
0xc4: {  	_ =	strace $0x9000004E  }
0xc5: {  	_ =	sfence  }
0xc6: {  	s30 =	sld [smem:$0x0];
	_ =	sdelay $0x2  }
0xc7: {  	s31 =	sshll.u32 s1, $0xD;
	s1 =	sshrl.u32 s1, $0x2  }
0xc8: {  	s4 =	sand.u32 $0x4000, s31;
	s1 =	sadd.s32 s1, s30  }
0xc9: {  	s0 =	sor.u32 s4, s0;
	s1 =	sshll.u32 s1, $0x11  }
0xca: {  	s0 =	sor.u32 s1, s0  }
0xcb: {  	s0 =	sadd.s32 $0x8F2B, s0  }
0xcc: {  	[sflag:s0] =	ssyncadd.remote.s32 $0x1  }
0xcd: {  	_ =	sfence.sel $0xFFFF  }
0xce: {  	[dreg:$0x0] =	wrdreg $0xFFFFFFFF;
	(pc) =	sbr.abs _section_cstart, $3  }
0xcf: {  	[dreg:$0x1] =	wrdreg $0xFFFFFFFF  }
0xd0: {  	_ =	task.clear_ibuf [dreg:s22], $0x2FFFF;
	_ =	strace $0x9FFFFFFF  }
0xd1: {  	(tm) =	ssettm $0x7FFFFFFF  }
tec
execute0_lowered:
.L_overlay_start_1:
0x0: {  	(tag) =	ssettag $0x1  }
0x1: {  	s0 =	srdreg.scid;
	s4 =	rddreg [dreg:$0x0]  }
0x2: {  	s2 =	rddreg [dreg:$0x1];
	s5 =	sand.u32 $0x1, s0  }
0x3: {  	s0 =	stileid.u32;
	s6 =	smul.u32 $0x30D400, s5  }
0x4: {  	s1 =	rddreg [dreg:$0x2];
	s3 =	simm.s32 $0x0;
	s7 =	smul.u32 $0x186A, s0  }
0x5: {  	[smem:$0x7FF] =	sst s3;
	s8 =	smul.u32 $0x18700, s0  }
0x6: {  	s14 =	simm.s32 $0x0;
	s9 =	smul.u32 $0x30E0, s0;
	_ =	strace $0x8000004D  }
0x7: {  	s10 =	smul.u32 $0x30E00, s5;
	s5 =	ssub.s32 $0x2, s5;
	s29 =	sshll.u32 s0, $0x6  }
0x8: {  	s30 =	smul.u32 $0x30D40, s0;
	s28 =	sshrl.u32 s5, $0x1;
	s11 =	sadd.s32 s6, s4  }
0x9: {  	s12 =	sadd.s32 s7, s4;
	s25 =	sshrl.u32 s8, $0x3;
	s26 =	sadd.s32 s9, s10  }
0xa: {  	s9 =	ssub.s32 s5, s28;
	s13 =	sadd.s32 s8, s2;
	s5 =	sor.u32 $0x1C02, s29  }
0xb: {  	s6 =	sadd.s32 s25, s4;
	s7 =	sadd.s32 s26, s4;
	s8 =	sadd.s32 $0x1D000, s12  }
0xc: {  	s31 =	sadd.s32 s30, s11;
	s10 =	sshrl.u32 s13, $0x3;
	s11 =	simm.s32 $0x2  }
0xd: {  	s12 =	simm.s32 $0xC8;
	s13 =	simm.s32 $0x1;
	s4 =	sadd.s32 $0x15AC00, s6  }
0xe: {  	s6 =	sadd.s32 $0x945A00, s7;
	s7 =	smax.u32 s9, $0x1;
	s9 =	sadd.s32 $0x32B200, s31  }
.LBB2_1:
0xf: {  	[spmem:s10], [sflag:s5] =	dma.local [hbm:s4], $0x30E0  }
0x10: {  	_ =	swait.ge [sflag:s11], $0x30E0  }
0x11: {  	[sflag:s11] =	ssyncset.done $0x0  }
0x12: {  	[sflag:s11] =	ssyncadd.s32 $0xFFFFCF20  }
0x13: {  	s15 =	sadd.s32 $0x0, s8;
	[bflag:$0x0] =	sbarrier.arrive $0xFFFF  }
0x14: {  	[tilespmem:s3], [sflag:$0x2] =	stream.linear.gather [hbm4b:s15+s3], $0xC8, $0x38;
	[tilespmem:$0x1A0C8] =	vst v63  }
0x15: {  	_ =	swait.ge [sflag:s11], $0xC8  }
0x16: {  	[sflag:s11] =	ssyncset.done $0x0  }
0x17: {  	[sflag:s11] =	ssyncadd.s32 $0xFFFFFF38  }
0x18: {  	[tilespmem:s12], [sflag:$0x1] =	stream.linear.gather [hbm4b:s9+s3], $0x1900, $0x38;
	[tilespmem:$0x1A0C8] =	vst v63  }
0x19: {  	_ =	swait.ge [sflag:s13], $0x1900  }
0x1a: {  	[sflag:s13] =	ssyncset.done $0x0  }
0x1b: {  	[sflag:s13] =	ssyncadd.s32 $0xFFFFE700  }
0x1c: {  	[spmem:s2] =	stream.indirect.scatter.add.f32 [tilespmem:s12], [sflag:$0x2], $0x20, s3, s12, $0xb8;
	[tilespmem:$0x1A0C8] =	vst v63  }
0x1d: {  	s16 =	simm.s32 $0x19;
	_ =	swait.ge [sflag:s11], $0x1900  }
0x1e: {  	s17 =	simm.s32 $0x32;
	s15 =	sadd.s32 $0x320, s9;
	[sflag:s11] =	ssyncset.done $0x0  }
.LBB2_2:
0x1f: {  	s18 =	sadd.s32 s16, s8  }
0x20: {  	[sflag:s11] =	ssyncadd.s32 $0xFFFFE700;
	s16 =	smov.u32 s17;
	s19 =	sadd.s32 $0x19, s17  }
0x21: {  	[tilespmem:s3], [sflag:$0x2] =	stream.linear.gather [hbm4b:s18+s3], $0xC8, $0x38;
	[tilespmem:$0x1A0C8] =	vst v63  }
0x22: {  	p0 =	sne.s32 s17, $0x1851;
	_ =	swait.ge [sflag:s11], $0xC8  }
0x23: {  	[sflag:s11] =	ssyncset.done $0x0  }
0x24: {  	[sflag:s11] =	ssyncadd.s32 $0xFFFFFF38  }
0x25: {  	[tilespmem:s12], [sflag:$0x1] =	stream.linear.gather [hbm4b:s15+s3], $0x1900, $0x38;
	[tilespmem:$0x1A0C8] =	vst v63  }
0x26: {  	_ =	swait.ge [sflag:s13], $0x1900  }
.Ltmp0:
0x27: {  	[sflag:s13] =	ssyncset.done $0x0;
	(pc) =	sbr.rel @p0 .LBB2_2-.Ltmp0, $4  }
0x28: {  	[sflag:s13] =	ssyncadd.s32 $0xFFFFE700  }
0x29: {  	[spmem:s2] =	stream.indirect.scatter.add.f32 [tilespmem:s12], [sflag:$0x2], $0x20, s3, s12, $0xb8;
	[tilespmem:$0x1A0C8] =	vst v63  }
0x2a: {  	_ =	swait.ge [sflag:s11], $0x1900  }
0x2b: {  	s17 =	smov.u32 s19;
	s15 =	sadd.s32 $0x320, s15;
	[sflag:s11] =	ssyncset.done $0x0  }
0x2c: {  	s16 =	sadd.s32 s16, s8;
	[sflag:s11] =	ssyncadd.s32 $0xFFFFE700  }
0x2d: {  	[tilespmem:s3], [sflag:$0x2] =	stream.linear.gather [hbm4b:s16+s3], $0xC8, $0x38;
	[tilespmem:$0x1A0C8] =	vst v63  }
0x2e: {  	_ =	swait.ge [sflag:s11], $0xC8  }
0x2f: {  	[sflag:s11] =	ssyncset.done $0x0  }
0x30: {  	[sflag:s11] =	ssyncadd.s32 $0xFFFFFF38  }
0x31: {  	[tilespmem:s12], [sflag:$0x1] =	stream.linear.gather [hbm4b:s15+s3], $0x1900, $0x38;
	[tilespmem:$0x1A0C8] =	vst v63  }
0x32: {  	_ =	swait.ge [sflag:s13], $0x1900  }
0x33: {  	[sflag:s13] =	ssyncset.done $0x0  }
0x34: {  	[sflag:s13] =	ssyncadd.s32 $0xFFFFE700  }
0x35: {  	[spmem:s2] =	stream.indirect.scatter.add.f32 [tilespmem:s12], [sflag:$0x2], $0x20, s3, s12, $0xb8;
	[tilespmem:$0x1A0C8] =	vst v63  }
0x36: {  	_ =	swait.ge [sflag:s11], $0x1900  }
0x37: {  	s14 =	sadd.s32 $0x1, s14;
	[sflag:s11] =	ssyncset.done $0x0  }
0x38: {  	p0 =	sne.s32 s14, s7;
	[sflag:s11] =	ssyncadd.s32 $0xFFFFE700  }
.Ltmp1:
0x39: {  	[bflag:$0x0] =	sbarrier.arrive $0xFFFF;
	(pc) =	sbr.rel @p0 .LBB2_1-.Ltmp1, $4  }
0x3a: {  	[hbm:s6], [sflag:s5] =	dma.local [spmem:s10], $0x30E0  }
0x3b: {  	_ =	swait.ge [sflag:s11], $0x30E0  }
0x3c: {  	[sflag:s11] =	ssyncset.done $0x0  }
0x3d: {  	[sflag:s11] =	ssyncadd.s32 $0xFFFFCF20  }
0x3e: {  	_ =	sfence.sel $0x180000  }
0x3f: {  	[bflag:$0x0] =	sbarrier.arrive $0xFFFF  }
0x40: {  	p0 =	sne.s32 s0, $0x0;
	_ =	strace $0x9000004D  }
0x41: {  	s0 =	sadd.s32 @!p0 $0x100000, s1;
	[bflag:$0x2] =	sbarrier.arrive $0xFFFF  }
0x42: {  	[sflag:s0] =	ssyncadd.tile.s32 @!p0 $0x1;
	_ =	shalt  }
.Lfunc_end2:
_tile_overlayer_lowered:
.L_overlay_start_2:
0x43: {  	(tag) =	ssettag $0x2  }
0x44: {  	s0 =	rddreg [dreg:$0x0];
	s2 =	stileid.u32  }
0x45: {  	s1 =	rddreg [dreg:$0x1];
	p0 =	sne.s32 s2, $0x0  }
0x46: {  	s3 =	rddreg [dreg:$0x2];
	[bflag:$0x3] =	sbarrier.arrive $0xFFFF;
	s2 =	simm.s32 @!p0 $0x1C02  }
0x47: {  	[timem:s3], [sflag:s2] =	dma.local @!p0 [hbm:s0], s1  }
0x48: {  	s0 =	simm.s32 @!p0 $0x2  }
0x49: {  	_ =	swait.ge @!p0 [sflag:s0], s1  }
0x4a: {  	s1 =	ssub.s32 @!p0 $0x0, s1;
	[sflag:s0] =	ssyncset.done @!p0 $0x0  }
0x4b: {  	[sflag:s0] =	ssyncadd.s32 @!p0 s1  }
0x4c: {  	[bflag:$0x3] =	sbarrier.arrive $0xFFFF  }
0x4d: {  	_ =	shalt  }

// kernel: kernel.16.cloned.1.call-start
scs
__scs_entry_jumppad:
0x0: {  	(pc) =	sbr.rel $0x88, $3  }
0x1: {  	(tag) =	ssettag $0x0;
	lr =	simm.s32 $0x1  }
0x2: {  	[smem:$0x3F8E] =	sst lr;
	_ =	strace $0xD0000000  }
0x3: {  	_ = 	snop  }
0x4: {  	_ = 	snop  }
0x5: {  	_ = 	snop  }
0x6: {  	_ = 	snop  }
0x7: {  	_ = 	snop  }
__scs_overlays_trampoline_lowered:
0x8: {  	[smem:$0x3F9D] =	sst s0  }
0x9: {  	[smem:$0x3F9E] =	sst s1  }
0xa: {  	[smem:$0x3F9F] =	sst s2  }
0xb: {  	[smem:$0x3FA0] =	sst s3  }
0xc: {  	[smem:$0x3FA1] =	sst s4  }
0xd: {  	[smem:$0x3FA2] =	sst s5  }
0xe: {  	[smem:$0x3FA3] =	sst s6  }
0xf: {  	[smem:$0x3FA4] =	sst s7  }
0x10: {  	[smem:$0x3FA5] =	sst s8  }
0x11: {  	[smem:$0x3FA6] =	sst s9;
	s0 =	simm.s32 @!p0 $0x0  }
0x12: {  	s1 =	sld [smem:$0x3F8C];
	s0 =	simm.s32 @p0 $0x1  }
0x13: {  	[smem:$0x3FA7] =	sst s0;
	s0 =	simm.s32 @!p1 $0x0  }
0x14: {  	s2 =	sld [smem:$0x3F8B];
	s0 =	simm.s32 @p1 $0x1  }
0x15: {  	[smem:$0x3FA8] =	sst s0;
	s0 =	simm.s32 @!p2 $0x0  }
0x16: {  	s3 =	sld [smem:$0x3FDB];
	s0 =	simm.s32 @p2 $0x1  }
0x17: {  	s4 =	simm.s32 $0x1BF5;
	[smem:$0x3FAA] =	sst s0  }
0x18: {  	s0 =	sld [smem:$0x3F8D];
	_ =	swait.ge [sflag:s4], $0x0  }
0x19: {  	s7 =	sld [smem:$0x3F8E]  }
0x1a: {  	s8 =	sadd.s32 $0xFFFFE003, lr  }
0x1b: {  	s9 =	sadd.s32 $0xFFFFFEF7, lr;
	s5 =	simm.s32 $0xFFFFFFFF;
	p2 =	slt.u32 s8, $0xFFFFF086  }
0x1c: {  	p1 =	slt.u32 s9, $0xF7A;
	s5 =	simm.s32 @!p2 $0x0  }
0x1d: {  	s5 =	simm.s32 @p1 $0x1;
	p0 =	seq.s32 s7, s2  }
0x1e: {  	s7 =	smul.u32 @!p0 $0xF7A, s2;
	p2 =	seq.s32 @!p0 s5, $0x0  }
0x1f: {  	s9 =	smul.u32 $0xF7A, s1;
	s8 =	simm.s32 @!p0 $0x1BF5;
	p2 =	por !p2, p0  }
0x20: {  	[sflag:s8] =	ssyncset.s32 @!p0 $0xFFFFF086;
	s6 =	sadd.s32 @!p0 s3, s7;
	s7 =	simm.s32 @!p0 $0x108  }
0x21: {  	s3 =	sadd.s32 s3, s9;
	s6 =	sadd.s32 @!p0 $0x88, s6;
	s7 =	simm.s32 @p2 $0x1082  }
0x22: {  	[simem:s7], [sflag:s8] =	dma.local @!p0 [hbm:s6], $0xF7A  }
0x23: {  	s9 =	sor.u32 $0xD0000000, s2;
	s6 =	simm.s32 $0x108;
	_ =	swait.ge @!p0 [sflag:s8], $0x0  }
0x24: {  	s3 =	sadd.s32 $0x88, s3;
	s6 =	simm.s32 @!p1 $0x1082;
	[sflag:s4] =	ssyncset.s32 $0xFFFFF086  }
0x25: {  	[simem:s6], [sflag:s4] =	dma.local [hbm:s3], $0xF7A  }
0x26: {  	[smem:$0x3F8E] =	sst s1;
	(tag) =	ssettag s2;
	_ =	strace s9  }
0x27: {  	s1 =	sld [smem:$0x3F9E]  }
0x28: {  	s2 =	sld [smem:$0x3F9F]  }
0x29: {  	s4 =	sld [smem:$0x3FA1]  }
0x2a: {  	p0 =	seq.s32 s5, $0x0;
	s5 =	sld [smem:$0x3FA2]  }
0x2b: {  	s6 =	sld [smem:$0x3FA3]  }
0x2c: {  	s7 =	sld [smem:$0x3FA4]  }
0x2d: {  	s3 =	simm.s32 $0x108;
	s8 =	sld [smem:$0x3FA5]  }
0x2e: {  	s3 =	simm.s32 @!p0 $0x1082;
	s9 =	sld [smem:$0x3FA6]  }
0x2f: {  	lr =	sadd.s32 s0, s3;
	s0 =	sld [smem:$0x3F9D]  }
0x30: {  	s3 =	sld [smem:$0x3FA0]  }
0x31: {  	[smem:$0x3FA9] =	sst s10  }
0x32: {  	s10 =	sld [smem:$0x3FA7];
	_ =	sdelay $0x3  }
0x33: {  	p0 =	seq.s32 s10, $0x1;
	s10 =	sld [smem:$0x3FA9];
	_ =	sdelay $0x3  }
0x34: {  	[smem:$0x3FA9] =	sst s10  }
0x35: {  	s10 =	sld [smem:$0x3FA8];
	_ =	sdelay $0x3  }
0x36: {  	p1 =	seq.s32 s10, $0x1;
	s10 =	sld [smem:$0x3FA9];
	_ =	sdelay $0x3  }
0x37: {  	[smem:$0x3FA9] =	sst s10  }
0x38: {  	s10 =	sld [smem:$0x3FAA]  }
0x39: {  	_ = 	snop;
	(pc) =	sbr.ind lr, $3  }
0x3a: {  	_ = 	snop  }
0x3b: {  	_ = 	snop  }
0x3c: {  	p2 =	seq.s32 s10, $0x1;
	s10 =	sld [smem:$0x3FA9]  }
0x3d: {  	_ =	shalt  }
0x3e: {  	_ =	shalt  }
0x3f: {  	_ =	shalt  }
0x40: {  	_ =	shalt  }
0x41: {  	_ =	shalt  }
0x42: {  	_ =	shalt  }
0x43: {  	_ =	shalt  }
0x44: {  	_ =	shalt  }
0x45: {  	_ =	shalt  }
0x46: {  	_ =	shalt  }
0x47: {  	_ =	shalt  }
0x48: {  	_ =	shalt  }
0x49: {  	_ =	shalt  }
0x4a: {  	_ =	shalt  }
0x4b: {  	_ =	shalt  }
0x4c: {  	_ =	shalt  }
0x4d: {  	_ =	shalt  }
0x4e: {  	_ =	shalt  }
0x4f: {  	_ =	shalt  }
0x50: {  	_ =	shalt  }
0x51: {  	_ =	shalt  }
0x52: {  	_ =	shalt  }
0x53: {  	_ =	shalt  }
0x54: {  	_ =	shalt  }
0x55: {  	_ =	shalt  }
0x56: {  	_ =	shalt  }
0x57: {  	_ =	shalt  }
0x58: {  	_ =	shalt  }
0x59: {  	_ =	shalt  }
0x5a: {  	_ =	shalt  }
0x5b: {  	_ =	shalt  }
0x5c: {  	_ =	shalt  }
0x5d: {  	_ =	shalt  }
0x5e: {  	_ =	shalt  }
0x5f: {  	_ =	shalt  }
0x60: {  	_ =	shalt  }
0x61: {  	_ =	shalt  }
0x62: {  	_ =	shalt  }
0x63: {  	_ =	shalt  }
0x64: {  	_ =	shalt  }
0x65: {  	_ =	shalt  }
0x66: {  	_ =	shalt  }
0x67: {  	_ =	shalt  }
0x68: {  	_ =	shalt  }
0x69: {  	_ =	shalt  }
0x6a: {  	_ =	shalt  }
0x6b: {  	_ =	shalt  }
0x6c: {  	_ =	shalt  }
0x6d: {  	_ =	shalt  }
0x6e: {  	_ =	shalt  }
0x6f: {  	_ =	shalt  }
0x70: {  	_ =	shalt  }
0x71: {  	_ =	shalt  }
0x72: {  	_ =	shalt  }
0x73: {  	_ =	shalt  }
0x74: {  	_ =	shalt  }
0x75: {  	_ =	shalt  }
0x76: {  	_ =	shalt  }
0x77: {  	_ =	shalt  }
0x78: {  	_ =	shalt  }
0x79: {  	_ =	shalt  }
0x7a: {  	_ =	shalt  }
0x7b: {  	_ =	shalt  }
0x7c: {  	_ =	shalt  }
0x7d: {  	_ =	shalt  }
0x7e: {  	_ =	shalt  }
0x7f: {  	_ =	shalt  }
0x80: {  	_ =	shalt  }
0x81: {  	_ =	shalt  }
0x82: {  	_ =	shalt  }
0x83: {  	_ =	shalt  }
0x84: {  	_ =	shalt  }
0x85: {  	_ =	shalt  }
0x86: {  	_ =	shalt  }
0x87: {  	_ =	shalt  }
.Lfunc_end0:
.L_simem_size_0:
called_computation.2_lowered:
.L_overlay_start_0:
0x88: {  	s2 =	sld [smem:$0x3FD9]  }
0x89: {  	s3 =	sld [smem:$0x3FFE];
	_ =	sdelay $0x1  }
0x8a: {  	s1 =	srdreg.scid  }
0x8b: {  	s0 =	sand.u32 $0x1, s1  }
0x8c: {  	s16 =	sshll.u32 s0, $0xA;
	s2 =	sadd.s32 s3, s2  }
0x8d: {  	s2 =	sadd.s32 s2, s16  }
0x8e: {  	[smem:$0x3FB5] =	sst s2  }
0x8f: {  	_ = 	snop  }
0x90: {  	(tm) =	ssettm $0x1  }
0x91: {  	s17 =	sld [smem:$0x3FFB];
	_ =	sdelay $0x3  }
0x92: {  	_ =	strace s17  }
0x93: {  	s2 =	sld [smem:$0x3FFC];
	_ =	sdelay $0x3  }
0x94: {  	_ =	strace s2  }
0x95: {  	s2 =	sld [smem:$0x3FFD];
	_ =	sdelay $0x3  }
0x96: {  	_ =	strace s2  }
0x97: {  	_ =	strace $0x8FFFFFFF  }
0x98: {  	s18 =	sld [smem:$0x3FDB];
	_ =	sdelay $0x1  }
0x99: {  	s19 =	simm.s32 $_scs_section_size  }
0x9a: {  	s4 =	simm.s32 $_size__tile_overlayer_lowered;
	s5 =	simm.s32 $_tile_overlayer_lowered  }
0x9b: {  	s22 =	simm.s32 $0x1BFF;
	s21 =	sshll.u32 s5, $0x1;
	s2 =	sadd.s32 s19, s18  }
0x9c: {  	s6 =	simm.s32 $0x0;
	s20 =	sshll.u32 s4, $0x1;
	s4 =	sadd.s32 s21, s2  }
0x9d: {  	[timem:s6], [sflag:s22] =	dma.local [hbm:s4], s20  }
0x9e: {  	_ =	swait.ge [sflag:s22], s20  }
0x9f: {  	s3 =	ssub.s32 $0x0, s20;
	[sflag:s22] =	ssyncset.done $0x0  }
0xa0: {  	[sflag:s22] =	ssyncadd.s32 s3;
	_ =	sdelay $0x1  }
0xa1: {  	s23 =	simm.s32 $0x1B8B  }
0xa2: {  	_ =	swait.ge [sflag:s23], $0x1  }
0xa3: {  	[sflag:s23] =	ssyncset.done $0x0  }
0xa4: {  	s25 =	simm.s32 $0x1B8E;
	s24 =	sld [smem:$0x3FFE];
	[sflag:s23] =	ssyncadd.s32 $0xFFFFFFFF  }
0xa5: {  	s26 =	simm.s32 $execute0_lowered;
	[smem:$0x3FD2] =	sst s25  }
0xa6: {  	s4 =	sshll.u32 s26, $0x1;
	_ =	strace $0x80000049;
	[dreg:$0x1] =	wrdreg $0xFFFFFFFF  }
0xa7: {  	s28 =	simm.s32 $_size_execute0_lowered;
	s2 =	sadd.s32 s2, s4;
	[dreg:$0x0] =	wrdreg $0x0  }
0xa8: {  	s4 =	sshll.u32 s28, $0x1;
	[dreg:$0x2] =	wrdreg s2  }
0xa9: {  	[dreg:$0x3] =	wrdreg s4  }
0xaa: {  	[dreg:$0x4] =	wrdreg $0xC0  }
0xab: {  	_ =	task [dreg:s6], $0x5FFFF  }
0xac: {  	[dreg:$0x1] =	wrdreg $0xFFFFFFFF  }
0xad: {  	[dreg:$0x0] =	wrdreg $0x60  }
0xae: {  	[dreg:$0x2] =	wrdreg s24  }
0xaf: {  	[dreg:$0x3] =	wrdreg $0x35200  }
0xb0: {  	[dreg:$0x4] =	wrdreg $0xA  }
0xb1: {  	_ =	task.clear_ibuf [dreg:s6], $0x5FFFF;
	_ =	strace $0x90000049  }
0xb2: {  	s29 =	simm.s32 $0xA;
	_ =	strace $0x8000004B  }
0xb3: {  	_ =	swait.ge [sflag:s29], $0x1  }
0xb4: {  	[sflag:s29] =	ssyncadd.s32 $0xFFFFFFFF  }
0xb5: {  	_ =	strace $0x9000004B  }
0xb6: {  	_ =	sfence  }
0xb7: {  	s30 =	sld [smem:$0x0];
	_ =	sdelay $0x2  }
0xb8: {  	s31 =	sshll.u32 s1, $0xD;
	s1 =	sshrl.u32 s1, $0x2  }
0xb9: {  	s3 =	sand.u32 $0x4000, s31;
	s1 =	sadd.s32 s1, s30  }
0xba: {  	s0 =	sor.u32 s3, s0;
	s1 =	sshll.u32 s1, $0x11  }
0xbb: {  	s0 =	sor.u32 s1, s0  }
0xbc: {  	s0 =	sadd.s32 $0x8F2B, s0  }
0xbd: {  	[sflag:s0] =	ssyncadd.remote.s32 $0x1  }
0xbe: {  	_ =	sfence.sel $0xFFFF  }
0xbf: {  	[dreg:$0x0] =	wrdreg $0xFFFFFFFF;
	(pc) =	sbr.abs _section_cstart, $3  }
0xc0: {  	[dreg:$0x1] =	wrdreg $0xFFFFFFFF  }
0xc1: {  	_ =	task.clear_ibuf [dreg:s6], $0x2FFFF;
	_ =	strace $0x9FFFFFFF  }
0xc2: {  	(tm) =	ssettm $0x7FFFFFFF  }
0xc3: {  	_ =	shalt  }
tec
execute0_lowered:
.L_overlay_start_1:
0x0: {  	(tag) =	ssettag $0x1  }
0x1: {  	s6 =	rddreg [dreg:$0x0]  }
0x2: {  	s1 =	rddreg [dreg:$0x1]  }
0x3: {  	s3 =	simm.s32 $0x0;
	s2 =	srdreg.scid;
	s0 =	stileid.u32  }
0x4: {  	s19 =	simm.s32 $0x190;
	s20 =	simm.s32 $0xC8;
	s9 =	smul.u32 $0xC38, s0  }
0x5: {  	s21 =	simm.s32 $0x320;
	[smem:$0x7FF] =	sst s3;
	s10 =	smul.u32 $0x61C00, s0  }
0x6: {  	s7 =	sand.u32 $0x1, s2;
	s4 =	sadd.s32 $0x97400, s6;
	s11 =	smul.u32 $0xC350, s0  }
0x7: {  	s5 =	sadd.s32 $0x66600, s6;
	s14 =	sadd.s32 $0x4800, s6;
	s29 =	smul.u32 $0x186A, s0  }
0x8: {  	s24 =	sshll.u32 s0, $0x6;
	s8 =	smul.u32 $0xC380, s7;
	_ =	strace $0x8000004A  }
0x9: {  	s22 =	ssub.s32 $0x2, s7;
	s13 =	smul.u32 $0xC3500, s7;
	s7 =	sor.u32 $0x1C03, s24  }
0xa: {  	s24 =	simm.s32 $0x1;
	s12 =	sshrl.u32 s22, $0x1;
	s23 =	sshrl.u32 s10, $0x2  }
0xb: {  	s26 =	sshrl.u32 s11, $0x3;
	s18 =	sadd.s32 $0xC288, s11;
	s8 =	sadd.s32 s9, s8  }
0xc: {  	s12 =	ssub.s32 s22, s12;
	s17 =	sadd.s32 s23, s1;
	s16 =	sadd.s32 s11, s13  }
0xd: {  	s9 =	sadd.s32 s14, s26;
	s13 =	sadd.s32 s13, s18;
	s30 =	sshrl.u32 s18, $0x3  }
0xe: {  	s22 =	simm.s32 $0x258;
	s23 =	simm.s32 $0x1C20;
	s26 =	simm.s32 $0x0  }
0xf: {  	s8 =	sshll.u32 s8, $0x2;
	s25 =	sshrl.u32 s16, $0x3;
	s11 =	smax.u32 s12, $0x1  }
0x10: {  	s28 =	sshrl.u32 s13, $0x3;
	s31 =	sadd.s32 $0xC8, s16;
	s13 =	sadd.s32 s14, s30  }
0x11: {  	s14 =	sadd.s32 s29, s14;
	s17 =	sshrl.u32 s17, $0x3;
	s15 =	sadd.s32 s8, s6  }
0x12: {  	s6 =	sadd.s32 s4, s8;
	s8 =	sadd.s32 s5, s25;
	s12 =	sadd.s32 s5, s28  }
0x13: {  	s18 =	sshrl.u32 s31, $0x3;
	s25 =	simm.s32 $0x2;
	s10 =	sadd.s32 $0xF9000, s15  }
0x14: {  	s15 =	sadd.s32 $0x190, s16;
	s16 =	sadd.s32 s18, s5;
	s18 =	simm.s32 $0x3  }
.LBB2_1:
0x15: {  	[spmem:s17], [sflag:s7] =	dma.local [hbm:s6], $0x30E0  }
0x16: {  	_ =	swait.ge [sflag:s18], $0x30E0  }
0x17: {  	[sflag:s18] =	ssyncset.done $0x0  }
0x18: {  	[sflag:s18] =	ssyncadd.s32 $0xFFFFCF20  }
0x19: {  	[bflag:$0x0] =	sbarrier.arrive $0xFFFF  }
0x1a: {  	[tilespmem:s3], [sflag:$0x3] =	stream.linear.gather [hbm4b:s8+s3], $0xC8, $0x38;
	[tilespmem:$0x1BC20] =	vst v63  }
0x1b: {  	_ =	swait.ge [sflag:s18], $0xC8  }
0x1c: {  	[sflag:s18] =	ssyncset.done $0x0  }
0x1d: {  	[sflag:s18] =	ssyncadd.s32 $0xFFFFFF38  }
0x1e: {  	[tilespmem:s19], [sflag:$0x3] =	stream.linear.gather [hbm4b:s9+s3], $0xC8, $0x38;
	[tilespmem:$0x1BC20] =	vst v63  }
0x1f: {  	_ =	swait.ge [sflag:s18], $0xC8  }
0x20: {  	[sflag:s18] =	ssyncset.done $0x0  }
0x21: {  	[sflag:s18] =	ssyncadd.s32 $0xFFFFFF38  }
0x22: {  	[tilespmem:s21], [sflag:$0x1] =	stream.indirect.gather [hbm4b:s4+s20], $0x20, s3, s20, $0xb8;
	[tilespmem:$0x1BC20] =	vst v63  }
0x23: {  	s28 =	sadd.s32 $0x0, s16  }
0x24: {  	[tilespmem:s20], [sflag:$0x3] =	stream.linear.gather [hbm4b:s28+s3], $0xC8, $0x38;
	[tilespmem:$0x1BC20] =	vst v63  }
0x25: {  	_ =	swait.ge [sflag:s18], $0xC8  }
0x26: {  	s28 =	sadd.s32 $0x0, s14;
	[sflag:s18] =	ssyncset.done $0x0  }
0x27: {  	s29 =	sadd.s32 $0x19, s28;
	[sflag:s18] =	ssyncadd.s32 $0xFFFFFF38  }
0x28: {  	[tilespmem:s22], [sflag:$0x3] =	stream.linear.gather [hbm4b:s29+s3], $0xC8, $0x38;
	[tilespmem:$0x1BC20] =	vst v63  }
0x29: {  	_ =	swait.ge [sflag:s18], $0xC8  }
0x2a: {  	[sflag:s18] =	ssyncset.done $0x0  }
0x2b: {  	[sflag:s18] =	ssyncadd.s32 $0xFFFFFF38  }
0x2c: {  	[tilespmem:s23], [sflag:$0x2] =	stream.indirect.gather [hbm4b:s4+s20], $0x20, s20, s20, $0xb8;
	[tilespmem:$0x1BC20] =	vst v63  }
0x2d: {  	_ =	swait.ge [sflag:s24], $0x1900  }
0x2e: {  	[sflag:s24] =	ssyncset.done $0x0  }
0x2f: {  	[sflag:s24] =	ssyncadd.s32 $0xFFFFE700  }
0x30: {  	[spmem:s1] =	stream.indirect.scatter.add.f32 [tilespmem:s21], [sflag:$0x3], $0x20, s19, s20, $0xb8;
	[tilespmem:$0x1BC20] =	vst v63  }
0x31: {  	_ =	swait.ge [sflag:s18], $0x1900  }
0x32: {  	s29 =	sshrl.u32 s15, $0x3;
	[sflag:s18] =	ssyncset.done $0x0  }
0x33: {  	s29 =	sadd.s32 s5, s29;
	[sflag:s18] =	ssyncadd.s32 $0xFFFFE700  }
0x34: {  	[tilespmem:s3], [sflag:$0x3] =	stream.linear.gather [hbm4b:s29+s3], $0xC8, $0x38;
	[tilespmem:$0x1BC20] =	vst v63  }
0x35: {  	_ =	swait.ge [sflag:s18], $0xC8  }
0x36: {  	[sflag:s18] =	ssyncset.done $0x0  }
0x37: {  	s28 =	sadd.s32 $0x32, s28;
	[sflag:s18] =	ssyncadd.s32 $0xFFFFFF38  }
0x38: {  	[tilespmem:s19], [sflag:$0x3] =	stream.linear.gather [hbm4b:s28+s3], $0xC8, $0x38;
	[tilespmem:$0x1BC20] =	vst v63  }
0x39: {  	_ =	swait.ge [sflag:s18], $0xC8  }
0x3a: {  	[sflag:s18] =	ssyncset.done $0x0  }
0x3b: {  	[sflag:s18] =	ssyncadd.s32 $0xFFFFFF38  }
0x3c: {  	[tilespmem:s21], [sflag:$0x1] =	stream.indirect.gather [hbm4b:s4+s20], $0x20, s3, s20, $0xb8;
	[tilespmem:$0x1BC20] =	vst v63  }
0x3d: {  	_ =	swait.ge [sflag:s25], $0x1900  }
0x3e: {  	[sflag:s25] =	ssyncset.done $0x0  }
0x3f: {  	[sflag:s25] =	ssyncadd.s32 $0xFFFFE700  }
0x40: {  	[spmem:s1] =	stream.indirect.scatter.add.f32 [tilespmem:s23], [sflag:$0x3], $0x20, s22, s20, $0xb8;
	[tilespmem:$0x1BC20] =	vst v63  }
0x41: {  	s31 =	simm.s32 $0x64;
	_ =	swait.ge [sflag:s18], $0x1900  }
0x42: {  	s29 =	simm.s32 $0x32;
	s28 =	sadd.s32 $0x190, s15;
	[sflag:s18] =	ssyncset.done $0x0  }
.LBB2_2:
0x43: {  	s0 =	sadd.s32 s29, s16  }
0x44: {  	[sflag:s18] =	ssyncadd.s32 $0xFFFFE700;
	s2 =	smov.u32 s31;
	s30 =	sadd.s32 $0x32, s31  }
0x45: {  	[tilespmem:s20], [sflag:$0x3] =	stream.linear.gather [hbm4b:s0+s3], $0xC8, $0x38;
	[tilespmem:$0x1BC20] =	vst v63  }
0x46: {  	p0 =	sne.s32 s31, $0x1806;
	_ =	swait.ge [sflag:s18], $0xC8  }
0x47: {  	s0 =	sadd.s32 s29, s14;
	s29 =	smov.u32 s2;
	[sflag:s18] =	ssyncset.done $0x0  }
0x48: {  	s2 =	sadd.s32 $0x19, s0;
	[sflag:s18] =	ssyncadd.s32 $0xFFFFFF38  }
0x49: {  	[tilespmem:s22], [sflag:$0x3] =	stream.linear.gather [hbm4b:s2+s3], $0xC8, $0x38;
	[tilespmem:$0x1BC20] =	vst v63  }
0x4a: {  	_ =	swait.ge [sflag:s18], $0xC8  }
0x4b: {  	[sflag:s18] =	ssyncset.done $0x0  }
0x4c: {  	[sflag:s18] =	ssyncadd.s32 $0xFFFFFF38  }
0x4d: {  	[tilespmem:s23], [sflag:$0x2] =	stream.indirect.gather [hbm4b:s4+s20], $0x20, s20, s20, $0xb8;
	[tilespmem:$0x1BC20] =	vst v63  }
0x4e: {  	_ =	swait.ge [sflag:s24], $0x1900  }
0x4f: {  	[sflag:s24] =	ssyncset.done $0x0  }
0x50: {  	[sflag:s24] =	ssyncadd.s32 $0xFFFFE700  }
0x51: {  	[spmem:s1] =	stream.indirect.scatter.add.f32 [tilespmem:s21], [sflag:$0x3], $0x20, s19, s20, $0xb8;
	[tilespmem:$0x1BC20] =	vst v63  }
0x52: {  	_ =	swait.ge [sflag:s18], $0x1900  }
0x53: {  	s2 =	sshrl.u32 s28, $0x3;
	[sflag:s18] =	ssyncset.done $0x0  }
0x54: {  	s2 =	sadd.s32 s5, s2;
	[sflag:s18] =	ssyncadd.s32 $0xFFFFE700  }
0x55: {  	[tilespmem:s3], [sflag:$0x3] =	stream.linear.gather [hbm4b:s2+s3], $0xC8, $0x38;
	[tilespmem:$0x1BC20] =	vst v63  }
0x56: {  	_ =	swait.ge [sflag:s18], $0xC8  }
0x57: {  	[sflag:s18] =	ssyncset.done $0x0  }
0x58: {  	s0 =	sadd.s32 $0x32, s0;
	[sflag:s18] =	ssyncadd.s32 $0xFFFFFF38  }
0x59: {  	[tilespmem:s19], [sflag:$0x3] =	stream.linear.gather [hbm4b:s0+s3], $0xC8, $0x38;
	[tilespmem:$0x1BC20] =	vst v63  }
0x5a: {  	_ =	swait.ge [sflag:s18], $0xC8  }
0x5b: {  	[sflag:s18] =	ssyncset.done $0x0  }
0x5c: {  	[sflag:s18] =	ssyncadd.s32 $0xFFFFFF38  }
0x5d: {  	[tilespmem:s21], [sflag:$0x1] =	stream.indirect.gather [hbm4b:s4+s20], $0x20, s3, s20, $0xb8;
	[tilespmem:$0x1BC20] =	vst v63  }
0x5e: {  	_ =	swait.ge [sflag:s25], $0x1900  }
.Ltmp0:
0x5f: {  	[sflag:s25] =	ssyncset.done $0x0;
	(pc) =	sbr.rel @p0 .LBB2_2-.Ltmp0, $4  }
0x60: {  	[sflag:s25] =	ssyncadd.s32 $0xFFFFE700  }
0x61: {  	[spmem:s1] =	stream.indirect.scatter.add.f32 [tilespmem:s23], [sflag:$0x3], $0x20, s22, s20, $0xb8;
	[tilespmem:$0x1BC20] =	vst v63  }
0x62: {  	_ =	swait.ge [sflag:s18], $0x1900  }
0x63: {  	s31 =	smov.u32 s30;
	s28 =	sadd.s32 $0x190, s28;
	[sflag:s18] =	ssyncset.done $0x0  }
0x64: {  	s0 =	sadd.s32 s29, s16;
	[sflag:s18] =	ssyncadd.s32 $0xFFFFE700  }
0x65: {  	[tilespmem:s20], [sflag:$0x3] =	stream.linear.gather [hbm4b:s0+s3], $0xC8, $0x38;
	[tilespmem:$0x1BC20] =	vst v63  }
0x66: {  	_ =	swait.ge [sflag:s18], $0xC8  }
0x67: {  	s30 =	sadd.s32 s29, s14;
	[sflag:s18] =	ssyncset.done $0x0  }
0x68: {  	s2 =	sadd.s32 $0x19, s30;
	[sflag:s18] =	ssyncadd.s32 $0xFFFFFF38  }
0x69: {  	[tilespmem:s22], [sflag:$0x3] =	stream.linear.gather [hbm4b:s2+s3], $0xC8, $0x38;
	[tilespmem:$0x1BC20] =	vst v63  }
0x6a: {  	_ =	swait.ge [sflag:s18], $0xC8  }
0x6b: {  	[sflag:s18] =	ssyncset.done $0x0  }
0x6c: {  	[sflag:s18] =	ssyncadd.s32 $0xFFFFFF38  }
0x6d: {  	[tilespmem:s23], [sflag:$0x2] =	stream.indirect.gather [hbm4b:s4+s20], $0x20, s20, s20, $0xb8;
	[tilespmem:$0x1BC20] =	vst v63  }
0x6e: {  	_ =	swait.ge [sflag:s24], $0x1900  }
0x6f: {  	[sflag:s24] =	ssyncset.done $0x0  }
0x70: {  	[sflag:s24] =	ssyncadd.s32 $0xFFFFE700  }
0x71: {  	[spmem:s1] =	stream.indirect.scatter.add.f32 [tilespmem:s21], [sflag:$0x3], $0x20, s19, s20, $0xb8;
	[tilespmem:$0x1BC20] =	vst v63  }
0x72: {  	_ =	swait.ge [sflag:s18], $0x1900  }
0x73: {  	s31 =	sshrl.u32 s28, $0x3;
	[sflag:s18] =	ssyncset.done $0x0  }
0x74: {  	s2 =	sadd.s32 s5, s31;
	[sflag:s18] =	ssyncadd.s32 $0xFFFFE700  }
0x75: {  	[tilespmem:s3], [sflag:$0x3] =	stream.linear.gather [hbm4b:s2+s3], $0xC8, $0x38;
	[tilespmem:$0x1BC20] =	vst v63  }
0x76: {  	_ =	swait.ge [sflag:s18], $0xC8  }
0x77: {  	[sflag:s18] =	ssyncset.done $0x0  }
0x78: {  	s0 =	sadd.s32 $0x32, s30;
	[sflag:s18] =	ssyncadd.s32 $0xFFFFFF38  }
0x79: {  	[tilespmem:s19], [sflag:$0x3] =	stream.linear.gather [hbm4b:s0+s3], $0xC8, $0x38;
	[tilespmem:$0x1BC20] =	vst v63  }
0x7a: {  	_ =	swait.ge [sflag:s18], $0xC8  }
0x7b: {  	[sflag:s18] =	ssyncset.done $0x0  }
0x7c: {  	[sflag:s18] =	ssyncadd.s32 $0xFFFFFF38  }
0x7d: {  	[tilespmem:s21], [sflag:$0x1] =	stream.indirect.gather [hbm4b:s4+s20], $0x20, s3, s20, $0xb8;
	[tilespmem:$0x1BC20] =	vst v63  }
0x7e: {  	_ =	swait.ge [sflag:s25], $0x1900  }
0x7f: {  	[sflag:s25] =	ssyncset.done $0x0  }
0x80: {  	[sflag:s25] =	ssyncadd.s32 $0xFFFFE700  }
0x81: {  	[spmem:s1] =	stream.indirect.scatter.add.f32 [tilespmem:s23], [sflag:$0x3], $0x20, s22, s20, $0xb8;
	[tilespmem:$0x1BC20] =	vst v63  }
0x82: {  	_ =	swait.ge [sflag:s18], $0x1900  }
0x83: {  	[sflag:s18] =	ssyncset.done $0x0  }
0x84: {  	[sflag:s18] =	ssyncadd.s32 $0xFFFFE700  }
0x85: {  	[tilespmem:s20], [sflag:$0x3] =	stream.linear.gather [hbm4b:s12+s3], $0xC8, $0x38;
	[tilespmem:$0x1BC20] =	vst v63  }
0x86: {  	_ =	swait.ge [sflag:s18], $0xC8  }
0x87: {  	[sflag:s18] =	ssyncset.done $0x0  }
0x88: {  	[sflag:s18] =	ssyncadd.s32 $0xFFFFFF38  }
0x89: {  	[tilespmem:s22], [sflag:$0x3] =	stream.linear.gather [hbm4b:s13+s3], $0xC8, $0x38;
	[tilespmem:$0x1BC20] =	vst v63  }
0x8a: {  	_ =	swait.ge [sflag:s18], $0xC8  }
0x8b: {  	[sflag:s18] =	ssyncset.done $0x0  }
0x8c: {  	[sflag:s18] =	ssyncadd.s32 $0xFFFFFF38  }
0x8d: {  	[tilespmem:s23], [sflag:$0x2] =	stream.indirect.gather [hbm4b:s4+s20], $0x20, s20, s20, $0xb8;
	[tilespmem:$0x1BC20] =	vst v63  }
0x8e: {  	_ =	swait.ge [sflag:s24], $0x1900  }
0x8f: {  	[sflag:s24] =	ssyncset.done $0x0  }
0x90: {  	[sflag:s24] =	ssyncadd.s32 $0xFFFFE700  }
0x91: {  	[spmem:s1] =	stream.indirect.scatter.add.f32 [tilespmem:s21], [sflag:$0x3], $0x20, s19, s20, $0xb8;
	[tilespmem:$0x1BC20] =	vst v63  }
0x92: {  	_ =	swait.ge [sflag:s18], $0x1900  }
0x93: {  	[sflag:s18] =	ssyncset.done $0x0  }
0x94: {  	[sflag:s18] =	ssyncadd.s32 $0xFFFFE700  }
0x95: {  	_ =	swait.ge [sflag:s25], $0x1900  }
0x96: {  	[sflag:s25] =	ssyncset.done $0x0  }
0x97: {  	[sflag:s25] =	ssyncadd.s32 $0xFFFFE700  }
0x98: {  	[spmem:s1] =	stream.indirect.scatter.add.f32 [tilespmem:s23], [sflag:$0x3], $0x20, s22, s20, $0xb8;
	[tilespmem:$0x1BC20] =	vst v63  }
0x99: {  	_ =	swait.ge [sflag:s18], $0x1900  }
0x9a: {  	s26 =	sadd.s32 $0x1, s26;
	[sflag:s18] =	ssyncset.done $0x0  }
0x9b: {  	p0 =	sne.s32 s26, s11;
	[sflag:s18] =	ssyncadd.s32 $0xFFFFE700  }
.Ltmp1:
0x9c: {  	[bflag:$0x0] =	sbarrier.arrive $0xFFFF;
	(pc) =	sbr.rel @p0 .LBB2_1-.Ltmp1, $4  }
0x9d: {  	[hbm:s10], [sflag:s7] =	dma.local [spmem:s17], $0x30E0  }
0x9e: {  	_ =	swait.ge [sflag:s18], $0x30E0  }
0x9f: {  	[sflag:s18] =	ssyncset.done $0x0  }
0xa0: {  	[sflag:s18] =	ssyncadd.s32 $0xFFFFCF20  }
0xa1: {  	_ =	sfence.sel $0x180000  }
0xa2: {  	[bflag:$0x0] =	sbarrier.arrive $0xFFFF  }
0xa3: {  	_ =	strace $0x9000004A  }
0xa4: {  	s0 =	stileid.u32;
	[bflag:$0x2] =	sbarrier.arrive $0xFFFF  }
0xa5: {  	p0 =	sne.s32 s0, $0x0;
	s0 =	rddreg [dreg:$0x2]  }
0xa6: {  	s0 =	sadd.s32 @!p0 $0x100000, s0  }
0xa7: {  	[sflag:s0] =	ssyncadd.tile.s32 @!p0 $0x1;
	_ =	shalt  }
.Lfunc_end2:
_tile_overlayer_lowered:
.L_overlay_start_2:
0xa8: {  	(tag) =	ssettag $0x2  }
0xa9: {  	s0 =	rddreg [dreg:$0x0];
	s2 =	stileid.u32  }
0xaa: {  	s1 =	rddreg [dreg:$0x1];
	p0 =	sne.s32 s2, $0x0  }
0xab: {  	s3 =	rddreg [dreg:$0x2];
	[bflag:$0x3] =	sbarrier.arrive $0xFFFF;
	s2 =	simm.s32 @!p0 $0x1C03  }
0xac: {  	[timem:s3], [sflag:s2] =	dma.local @!p0 [hbm:s0], s1  }
0xad: {  	s0 =	simm.s32 @!p0 $0x3  }
0xae: {  	_ =	swait.ge @!p0 [sflag:s0], s1  }
0xaf: {  	s1 =	ssub.s32 @!p0 $0x0, s1;
	[sflag:s0] =	ssyncset.done @!p0 $0x0  }
0xb0: {  	[sflag:s0] =	ssyncadd.s32 @!p0 s1  }
0xb1: {  	[bflag:$0x3] =	sbarrier.arrive $0xFFFF  }
0xb2: {  	_ =	shalt  }

// kernel: kernel.19.cloned.1.call-start
scs
__scs_entry_jumppad:
0x0: {  	(pc) =	sbr.rel $0x88, $3  }
0x1: {  	(tag) =	ssettag $0x0;
	lr =	simm.s32 $0x1  }
0x2: {  	[smem:$0x3F8E] =	sst lr;
	_ =	strace $0xD0000000  }
0x3: {  	_ = 	snop  }
0x4: {  	_ = 	snop  }
0x5: {  	_ = 	snop  }
0x6: {  	_ = 	snop  }
0x7: {  	_ = 	snop  }
__scs_overlays_trampoline_lowered:
0x8: {  	[smem:$0x3F9D] =	sst s0  }
0x9: {  	[smem:$0x3F9E] =	sst s1  }
0xa: {  	[smem:$0x3F9F] =	sst s2  }
0xb: {  	[smem:$0x3FA0] =	sst s3  }
0xc: {  	[smem:$0x3FA1] =	sst s4  }
0xd: {  	[smem:$0x3FA2] =	sst s5  }
0xe: {  	[smem:$0x3FA3] =	sst s6  }
0xf: {  	[smem:$0x3FA4] =	sst s7  }
0x10: {  	[smem:$0x3FA5] =	sst s8  }
0x11: {  	[smem:$0x3FA6] =	sst s9;
	s0 =	simm.s32 @!p0 $0x0  }
0x12: {  	s1 =	sld [smem:$0x3F8C];
	s0 =	simm.s32 @p0 $0x1  }
0x13: {  	[smem:$0x3FA7] =	sst s0;
	s0 =	simm.s32 @!p1 $0x0  }
0x14: {  	s2 =	sld [smem:$0x3F8B];
	s0 =	simm.s32 @p1 $0x1  }
0x15: {  	[smem:$0x3FA8] =	sst s0;
	s0 =	simm.s32 @!p2 $0x0  }
0x16: {  	s3 =	sld [smem:$0x3FDB];
	s0 =	simm.s32 @p2 $0x1  }
0x17: {  	s4 =	simm.s32 $0x1BF5;
	[smem:$0x3FAA] =	sst s0  }
0x18: {  	s0 =	sld [smem:$0x3F8D];
	_ =	swait.ge [sflag:s4], $0x0  }
0x19: {  	s7 =	sld [smem:$0x3F8E]  }
0x1a: {  	s8 =	sadd.s32 $0xFFFFE003, lr  }
0x1b: {  	s9 =	sadd.s32 $0xFFFFFEF7, lr;
	s5 =	simm.s32 $0xFFFFFFFF;
	p2 =	slt.u32 s8, $0xFFFFF086  }
0x1c: {  	p1 =	slt.u32 s9, $0xF7A;
	s5 =	simm.s32 @!p2 $0x0  }
0x1d: {  	s5 =	simm.s32 @p1 $0x1;
	p0 =	seq.s32 s7, s2  }
0x1e: {  	s7 =	smul.u32 @!p0 $0xF7A, s2;
	p2 =	seq.s32 @!p0 s5, $0x0  }
0x1f: {  	s9 =	smul.u32 $0xF7A, s1;
	s8 =	simm.s32 @!p0 $0x1BF5;
	p2 =	por !p2, p0  }
0x20: {  	[sflag:s8] =	ssyncset.s32 @!p0 $0xFFFFF086;
	s6 =	sadd.s32 @!p0 s3, s7;
	s7 =	simm.s32 @!p0 $0x108  }
0x21: {  	s3 =	sadd.s32 s3, s9;
	s6 =	sadd.s32 @!p0 $0x88, s6;
	s7 =	simm.s32 @p2 $0x1082  }
0x22: {  	[simem:s7], [sflag:s8] =	dma.local @!p0 [hbm:s6], $0xF7A  }
0x23: {  	s9 =	sor.u32 $0xD0000000, s2;
	s6 =	simm.s32 $0x108;
	_ =	swait.ge @!p0 [sflag:s8], $0x0  }
0x24: {  	s3 =	sadd.s32 $0x88, s3;
	s6 =	simm.s32 @!p1 $0x1082;
	[sflag:s4] =	ssyncset.s32 $0xFFFFF086  }
0x25: {  	[simem:s6], [sflag:s4] =	dma.local [hbm:s3], $0xF7A  }
0x26: {  	[smem:$0x3F8E] =	sst s1;
	(tag) =	ssettag s2;
	_ =	strace s9  }
0x27: {  	s1 =	sld [smem:$0x3F9E]  }
0x28: {  	s2 =	sld [smem:$0x3F9F]  }
0x29: {  	s4 =	sld [smem:$0x3FA1]  }
0x2a: {  	p0 =	seq.s32 s5, $0x0;
	s5 =	sld [smem:$0x3FA2]  }
0x2b: {  	s6 =	sld [smem:$0x3FA3]  }
0x2c: {  	s7 =	sld [smem:$0x3FA4]  }
0x2d: {  	s3 =	simm.s32 $0x108;
	s8 =	sld [smem:$0x3FA5]  }
0x2e: {  	s3 =	simm.s32 @!p0 $0x1082;
	s9 =	sld [smem:$0x3FA6]  }
0x2f: {  	lr =	sadd.s32 s0, s3;
	s0 =	sld [smem:$0x3F9D]  }
0x30: {  	s3 =	sld [smem:$0x3FA0]  }
0x31: {  	[smem:$0x3FA9] =	sst s10  }
0x32: {  	s10 =	sld [smem:$0x3FA7];
	_ =	sdelay $0x3  }
0x33: {  	p0 =	seq.s32 s10, $0x1;
	s10 =	sld [smem:$0x3FA9];
	_ =	sdelay $0x3  }
0x34: {  	[smem:$0x3FA9] =	sst s10  }
0x35: {  	s10 =	sld [smem:$0x3FA8];
	_ =	sdelay $0x3  }
0x36: {  	p1 =	seq.s32 s10, $0x1;
	s10 =	sld [smem:$0x3FA9];
	_ =	sdelay $0x3  }
0x37: {  	[smem:$0x3FA9] =	sst s10  }
0x38: {  	s10 =	sld [smem:$0x3FAA]  }
0x39: {  	_ = 	snop;
	(pc) =	sbr.ind lr, $3  }
0x3a: {  	_ = 	snop  }
0x3b: {  	_ = 	snop  }
0x3c: {  	p2 =	seq.s32 s10, $0x1;
	s10 =	sld [smem:$0x3FA9]  }
0x3d: {  	_ =	shalt  }
0x3e: {  	_ =	shalt  }
0x3f: {  	_ =	shalt  }
0x40: {  	_ =	shalt  }
0x41: {  	_ =	shalt  }
0x42: {  	_ =	shalt  }
0x43: {  	_ =	shalt  }
0x44: {  	_ =	shalt  }
0x45: {  	_ =	shalt  }
0x46: {  	_ =	shalt  }
0x47: {  	_ =	shalt  }
0x48: {  	_ =	shalt  }
0x49: {  	_ =	shalt  }
0x4a: {  	_ =	shalt  }
0x4b: {  	_ =	shalt  }
0x4c: {  	_ =	shalt  }
0x4d: {  	_ =	shalt  }
0x4e: {  	_ =	shalt  }
0x4f: {  	_ =	shalt  }
0x50: {  	_ =	shalt  }
0x51: {  	_ =	shalt  }
0x52: {  	_ =	shalt  }
0x53: {  	_ =	shalt  }
0x54: {  	_ =	shalt  }
0x55: {  	_ =	shalt  }
0x56: {  	_ =	shalt  }
0x57: {  	_ =	shalt  }
0x58: {  	_ =	shalt  }
0x59: {  	_ =	shalt  }
0x5a: {  	_ =	shalt  }
0x5b: {  	_ =	shalt  }
0x5c: {  	_ =	shalt  }
0x5d: {  	_ =	shalt  }
0x5e: {  	_ =	shalt  }
0x5f: {  	_ =	shalt  }
0x60: {  	_ =	shalt  }
0x61: {  	_ =	shalt  }
0x62: {  	_ =	shalt  }
0x63: {  	_ =	shalt  }
0x64: {  	_ =	shalt  }
0x65: {  	_ =	shalt  }
0x66: {  	_ =	shalt  }
0x67: {  	_ =	shalt  }
0x68: {  	_ =	shalt  }
0x69: {  	_ =	shalt  }
0x6a: {  	_ =	shalt  }
0x6b: {  	_ =	shalt  }
0x6c: {  	_ =	shalt  }
0x6d: {  	_ =	shalt  }
0x6e: {  	_ =	shalt  }
0x6f: {  	_ =	shalt  }
0x70: {  	_ =	shalt  }
0x71: {  	_ =	shalt  }
0x72: {  	_ =	shalt  }
0x73: {  	_ =	shalt  }
0x74: {  	_ =	shalt  }
0x75: {  	_ =	shalt  }
0x76: {  	_ =	shalt  }
0x77: {  	_ =	shalt  }
0x78: {  	_ =	shalt  }
0x79: {  	_ =	shalt  }
0x7a: {  	_ =	shalt  }
0x7b: {  	_ =	shalt  }
0x7c: {  	_ =	shalt  }
0x7d: {  	_ =	shalt  }
0x7e: {  	_ =	shalt  }
0x7f: {  	_ =	shalt  }
0x80: {  	_ =	shalt  }
0x81: {  	_ =	shalt  }
0x82: {  	_ =	shalt  }
0x83: {  	_ =	shalt  }
0x84: {  	_ =	shalt  }
0x85: {  	_ =	shalt  }
0x86: {  	_ =	shalt  }
0x87: {  	_ =	shalt  }
.Lfunc_end0:
.L_simem_size_0:
called_computation.3_lowered:
.L_overlay_start_0:
0x88: {  	s2 =	sld [smem:$0x3FD9]  }
0x89: {  	s3 =	sld [smem:$0x3FFE];
	_ =	sdelay $0x1  }
0x8a: {  	s1 =	srdreg.scid  }
0x8b: {  	s0 =	sand.u32 $0x1, s1  }
0x8c: {  	s17 =	sshll.u32 s0, $0xA;
	s2 =	sadd.s32 s3, s2  }
0x8d: {  	s2 =	sadd.s32 s2, s17  }
0x8e: {  	[smem:$0x3FB5] =	sst s2  }
0x8f: {  	_ = 	snop  }
0x90: {  	(tm) =	ssettm $0x1  }
0x91: {  	s18 =	sld [smem:$0x3FFB];
	_ =	sdelay $0x3  }
0x92: {  	_ =	strace s18  }
0x93: {  	s2 =	sld [smem:$0x3FFC];
	_ =	sdelay $0x3  }
0x94: {  	_ =	strace s2  }
0x95: {  	s2 =	sld [smem:$0x3FFD];
	_ =	sdelay $0x3  }
0x96: {  	_ =	strace s2  }
0x97: {  	_ =	strace $0x8FFFFFFF  }
0x98: {  	s19 =	sld [smem:$0x3FDB];
	_ =	sdelay $0x1  }
0x99: {  	s20 =	simm.s32 $_scs_section_size  }
0x9a: {  	s4 =	simm.s32 $_size__tile_overlayer_lowered;
	s5 =	simm.s32 $_tile_overlayer_lowered  }
0x9b: {  	s6 =	simm.s32 $0x1BFF;
	s21 =	sshll.u32 s5, $0x1;
	s3 =	sadd.s32 s20, s19  }
0x9c: {  	s22 =	simm.s32 $0x0;
	s4 =	sshll.u32 s4, $0x1;
	s5 =	sadd.s32 s21, s3  }
0x9d: {  	[timem:s22], [sflag:s6] =	dma.local [hbm:s5], s4  }
0x9e: {  	_ =	swait.ge [sflag:s6], s4  }
0x9f: {  	s4 =	ssub.s32 $0x0, s4;
	[sflag:s6] =	ssyncset.done $0x0  }
0xa0: {  	[sflag:s6] =	ssyncadd.s32 s4;
	_ =	sdelay $0x1  }
0xa1: {  	s23 =	simm.s32 $0x1B8B  }
0xa2: {  	_ =	swait.ge [sflag:s23], $0x1  }
0xa3: {  	[sflag:s23] =	ssyncset.done $0x0  }
0xa4: {  	[sflag:s23] =	ssyncadd.s32 $0xFFFFFFFF  }
0xa5: {  	s4 =	sld [smem:$0x0]  }
0xa6: {  	s5 =	sand.u32 $0xFFFFFFFE, s1  }
0xa7: {  	p0 =	sne.s32 s1, s5  }
0xa8: {  	s5 =	sshll.u32 @p0 s5, $0xE  }
0xa9: {  	s5 =	sadd.s32 @p0 $0x11B8D, s5;
	s6 =	sshll.u32 @p0 s4, $0x11  }
0xaa: {  	s5 =	sor.u32 @p0 s6, s5  }
0xab: {  	[sflag:s5] =	ssyncadd.remote.s32 @p0 $0x1;
	_ =	sdelay $0x1  }
0xac: {  	s5 =	simm.s32 @p0 $0x1B8D  }
0xad: {  	_ =	swait.eq @p0 [sflag:s5], $0x1  }
0xae: {  	[sflag:s5] =	ssyncadd.s32 @p0 $0xFFFFFFFF  }
0xaf: {  	s6 =	sshll.u32 @!p0 s1, $0xE  }
0xb0: {  	s6 =	sor.u32 @!p0 $0x4000, s6;
	s5 =	simm.s32 @!p0 $0x1B8D  }
0xb1: {  	s4 =	sshll.u32 @!p0 s4, $0x11;
	s6 =	sadd.s32 @!p0 $0x11B8D, s6;
	_ =	swait.eq @!p0 [sflag:s5], $0x1  }
0xb2: {  	s4 =	sor.u32 @!p0 s4, s6;
	[sflag:s5] =	ssyncadd.s32 @!p0 $0xFFFFFFFF  }
0xb3: {  	s25 =	simm.s32 $0x1B8E;
	s24 =	sld [smem:$0x3FFE];
	[sflag:s4] =	ssyncadd.remote.s32 @!p0 $0x1  }
0xb4: {  	s26 =	simm.s32 $execute0_lowered;
	[smem:$0x3FD2] =	sst s25  }
0xb5: {  	s5 =	sshll.u32 s26, $0x1;
	_ =	strace $0x8000004F;
	[dreg:$0x1] =	wrdreg $0xFFFFFFFF  }
0xb6: {  	s28 =	simm.s32 $_size_execute0_lowered;
	s3 =	sadd.s32 s3, s5;
	[dreg:$0x0] =	wrdreg $0x0  }
0xb7: {  	s5 =	sshll.u32 s28, $0x1;
	[dreg:$0x2] =	wrdreg s3  }
0xb8: {  	[dreg:$0x3] =	wrdreg s5  }
0xb9: {  	[dreg:$0x4] =	wrdreg $0xC0  }
0xba: {  	_ =	task [dreg:s22], $0x5FFFF  }
0xbb: {  	[dreg:$0x1] =	wrdreg $0xFFFFFFFF  }
0xbc: {  	[dreg:$0x0] =	wrdreg $0x60  }
0xbd: {  	[dreg:$0x2] =	wrdreg s24  }
0xbe: {  	[dreg:$0x3] =	wrdreg $0x35200  }
0xbf: {  	[dreg:$0x4] =	wrdreg $0xA  }
0xc0: {  	_ =	task.clear_ibuf [dreg:s22], $0x5FFFF;
	_ =	strace $0x9000004F  }
0xc1: {  	s29 =	simm.s32 $0xA;
	_ =	strace $0x80000051  }
0xc2: {  	_ =	swait.ge [sflag:s29], $0x1  }
0xc3: {  	[sflag:s29] =	ssyncadd.s32 $0xFFFFFFFF  }
0xc4: {  	_ =	strace $0x90000051  }
0xc5: {  	_ =	sfence  }
0xc6: {  	s30 =	sld [smem:$0x0];
	_ =	sdelay $0x2  }
0xc7: {  	s31 =	sshll.u32 s1, $0xD;
	s1 =	sshrl.u32 s1, $0x2  }
0xc8: {  	s4 =	sand.u32 $0x4000, s31;
	s1 =	sadd.s32 s1, s30  }
0xc9: {  	s0 =	sor.u32 s4, s0;
	s1 =	sshll.u32 s1, $0x11  }
0xca: {  	s0 =	sor.u32 s1, s0  }
0xcb: {  	s0 =	sadd.s32 $0x8F2B, s0  }
0xcc: {  	[sflag:s0] =	ssyncadd.remote.s32 $0x1  }
0xcd: {  	_ =	sfence.sel $0xFFFF  }
0xce: {  	[dreg:$0x0] =	wrdreg $0xFFFFFFFF;
	(pc) =	sbr.abs _section_cstart, $3  }
0xcf: {  	[dreg:$0x1] =	wrdreg $0xFFFFFFFF  }
0xd0: {  	_ =	task.clear_ibuf [dreg:s22], $0x2FFFF;
	_ =	strace $0x9FFFFFFF  }
0xd1: {  	(tm) =	ssettm $0x7FFFFFFF  }
tec
execute0_lowered:
.L_overlay_start_1:
0x0: {  	(tag) =	ssettag $0x1  }
0x1: {  	s6 =	rddreg [dreg:$0x0]  }
0x2: {  	s1 =	rddreg [dreg:$0x1]  }
0x3: {  	s3 =	simm.s32 $0x0;
	s2 =	srdreg.scid;
	s0 =	stileid.u32  }
0x4: {  	s19 =	simm.s32 $0x190;
	s20 =	simm.s32 $0xC8;
	s9 =	smul.u32 $0xC38, s0  }
0x5: {  	s21 =	simm.s32 $0x320;
	[smem:$0x7FF] =	sst s3;
	s10 =	smul.u32 $0x61C00, s0  }
0x6: {  	s7 =	sand.u32 $0x1, s2;
	s4 =	sadd.s32 $0x97400, s6;
	s11 =	smul.u32 $0xC350, s0  }
0x7: {  	s5 =	sadd.s32 $0x66600, s6;
	s14 =	sadd.s32 $0x4800, s6;
	s29 =	smul.u32 $0x186A, s0  }
0x8: {  	s24 =	sshll.u32 s0, $0x6;
	s8 =	smul.u32 $0xC380, s7;
	_ =	strace $0x80000050  }
0x9: {  	s22 =	ssub.s32 $0x2, s7;
	s13 =	smul.u32 $0xC3500, s7;
	s7 =	sor.u32 $0x1C03, s24  }
0xa: {  	s24 =	simm.s32 $0x1;
	s12 =	sshrl.u32 s22, $0x1;
	s23 =	sshrl.u32 s10, $0x2  }
0xb: {  	s26 =	sshrl.u32 s11, $0x3;
	s18 =	sadd.s32 $0xC288, s11;
	s8 =	sadd.s32 s9, s8  }
0xc: {  	s12 =	ssub.s32 s22, s12;
	s17 =	sadd.s32 s23, s1;
	s16 =	sadd.s32 s11, s13  }
0xd: {  	s9 =	sadd.s32 s14, s26;
	s13 =	sadd.s32 s13, s18;
	s30 =	sshrl.u32 s18, $0x3  }
0xe: {  	s22 =	simm.s32 $0x258;
	s23 =	simm.s32 $0x1C20;
	s26 =	simm.s32 $0x0  }
0xf: {  	s8 =	sshll.u32 s8, $0x2;
	s25 =	sshrl.u32 s16, $0x3;
	s11 =	smax.u32 s12, $0x1  }
0x10: {  	s28 =	sshrl.u32 s13, $0x3;
	s31 =	sadd.s32 $0xC8, s16;
	s13 =	sadd.s32 s14, s30  }
0x11: {  	s14 =	sadd.s32 s29, s14;
	s17 =	sshrl.u32 s17, $0x3;
	s15 =	sadd.s32 s8, s6  }
0x12: {  	s6 =	sadd.s32 s4, s8;
	s8 =	sadd.s32 s5, s25;
	s12 =	sadd.s32 s5, s28  }
0x13: {  	s18 =	sshrl.u32 s31, $0x3;
	s25 =	simm.s32 $0x2;
	s10 =	sadd.s32 $0xF9000, s15  }
0x14: {  	s15 =	sadd.s32 $0x190, s16;
	s16 =	sadd.s32 s18, s5;
	s18 =	simm.s32 $0x3  }
.LBB2_1:
0x15: {  	[spmem:s17], [sflag:s7] =	dma.local [hbm:s6], $0x30E0  }
0x16: {  	_ =	swait.ge [sflag:s18], $0x30E0  }
0x17: {  	[sflag:s18] =	ssyncset.done $0x0  }
0x18: {  	[sflag:s18] =	ssyncadd.s32 $0xFFFFCF20  }
0x19: {  	[bflag:$0x0] =	sbarrier.arrive $0xFFFF  }
0x1a: {  	[tilespmem:s3], [sflag:$0x3] =	stream.linear.gather [hbm4b:s8+s3], $0xC8, $0x38;
	[tilespmem:$0x1BC20] =	vst v63  }
0x1b: {  	_ =	swait.ge [sflag:s18], $0xC8  }
0x1c: {  	[sflag:s18] =	ssyncset.done $0x0  }
0x1d: {  	[sflag:s18] =	ssyncadd.s32 $0xFFFFFF38  }
0x1e: {  	[tilespmem:s19], [sflag:$0x3] =	stream.linear.gather [hbm4b:s9+s3], $0xC8, $0x38;
	[tilespmem:$0x1BC20] =	vst v63  }
0x1f: {  	_ =	swait.ge [sflag:s18], $0xC8  }
0x20: {  	[sflag:s18] =	ssyncset.done $0x0  }
0x21: {  	[sflag:s18] =	ssyncadd.s32 $0xFFFFFF38  }
0x22: {  	[tilespmem:s21], [sflag:$0x1] =	stream.indirect.gather [hbm4b:s4+s20], $0x20, s3, s20, $0xb8;
	[tilespmem:$0x1BC20] =	vst v63  }
0x23: {  	s28 =	sadd.s32 $0x0, s16  }
0x24: {  	[tilespmem:s20], [sflag:$0x3] =	stream.linear.gather [hbm4b:s28+s3], $0xC8, $0x38;
	[tilespmem:$0x1BC20] =	vst v63  }
0x25: {  	_ =	swait.ge [sflag:s18], $0xC8  }
0x26: {  	s28 =	sadd.s32 $0x0, s14;
	[sflag:s18] =	ssyncset.done $0x0  }
0x27: {  	s29 =	sadd.s32 $0x19, s28;
	[sflag:s18] =	ssyncadd.s32 $0xFFFFFF38  }
0x28: {  	[tilespmem:s22], [sflag:$0x3] =	stream.linear.gather [hbm4b:s29+s3], $0xC8, $0x38;
	[tilespmem:$0x1BC20] =	vst v63  }
0x29: {  	_ =	swait.ge [sflag:s18], $0xC8  }
0x2a: {  	[sflag:s18] =	ssyncset.done $0x0  }
0x2b: {  	[sflag:s18] =	ssyncadd.s32 $0xFFFFFF38  }
0x2c: {  	[tilespmem:s23], [sflag:$0x2] =	stream.indirect.gather [hbm4b:s4+s20], $0x20, s20, s20, $0xb8;
	[tilespmem:$0x1BC20] =	vst v63  }
0x2d: {  	_ =	swait.ge [sflag:s24], $0x1900  }
0x2e: {  	[sflag:s24] =	ssyncset.done $0x0  }
0x2f: {  	[sflag:s24] =	ssyncadd.s32 $0xFFFFE700  }
0x30: {  	[spmem:s1] =	stream.indirect.scatter.add.f32 [tilespmem:s21], [sflag:$0x3], $0x20, s19, s20, $0xb8;
	[tilespmem:$0x1BC20] =	vst v63  }
0x31: {  	_ =	swait.ge [sflag:s18], $0x1900  }
0x32: {  	s29 =	sshrl.u32 s15, $0x3;
	[sflag:s18] =	ssyncset.done $0x0  }
0x33: {  	s29 =	sadd.s32 s5, s29;
	[sflag:s18] =	ssyncadd.s32 $0xFFFFE700  }
0x34: {  	[tilespmem:s3], [sflag:$0x3] =	stream.linear.gather [hbm4b:s29+s3], $0xC8, $0x38;
	[tilespmem:$0x1BC20] =	vst v63  }
0x35: {  	_ =	swait.ge [sflag:s18], $0xC8  }
0x36: {  	[sflag:s18] =	ssyncset.done $0x0  }
0x37: {  	s28 =	sadd.s32 $0x32, s28;
	[sflag:s18] =	ssyncadd.s32 $0xFFFFFF38  }
0x38: {  	[tilespmem:s19], [sflag:$0x3] =	stream.linear.gather [hbm4b:s28+s3], $0xC8, $0x38;
	[tilespmem:$0x1BC20] =	vst v63  }
0x39: {  	_ =	swait.ge [sflag:s18], $0xC8  }
0x3a: {  	[sflag:s18] =	ssyncset.done $0x0  }
0x3b: {  	[sflag:s18] =	ssyncadd.s32 $0xFFFFFF38  }
0x3c: {  	[tilespmem:s21], [sflag:$0x1] =	stream.indirect.gather [hbm4b:s4+s20], $0x20, s3, s20, $0xb8;
	[tilespmem:$0x1BC20] =	vst v63  }
0x3d: {  	_ =	swait.ge [sflag:s25], $0x1900  }
0x3e: {  	[sflag:s25] =	ssyncset.done $0x0  }
0x3f: {  	[sflag:s25] =	ssyncadd.s32 $0xFFFFE700  }
0x40: {  	[spmem:s1] =	stream.indirect.scatter.add.f32 [tilespmem:s23], [sflag:$0x3], $0x20, s22, s20, $0xb8;
	[tilespmem:$0x1BC20] =	vst v63  }
0x41: {  	s31 =	simm.s32 $0x64;
	_ =	swait.ge [sflag:s18], $0x1900  }
0x42: {  	s29 =	simm.s32 $0x32;
	s28 =	sadd.s32 $0x190, s15;
	[sflag:s18] =	ssyncset.done $0x0  }
.LBB2_2:
0x43: {  	s0 =	sadd.s32 s29, s16  }
0x44: {  	[sflag:s18] =	ssyncadd.s32 $0xFFFFE700;
	s2 =	smov.u32 s31;
	s30 =	sadd.s32 $0x32, s31  }
0x45: {  	[tilespmem:s20], [sflag:$0x3] =	stream.linear.gather [hbm4b:s0+s3], $0xC8, $0x38;
	[tilespmem:$0x1BC20] =	vst v63  }
0x46: {  	p0 =	sne.s32 s31, $0x1806;
	_ =	swait.ge [sflag:s18], $0xC8  }
0x47: {  	s0 =	sadd.s32 s29, s14;
	s29 =	smov.u32 s2;
	[sflag:s18] =	ssyncset.done $0x0  }
0x48: {  	s2 =	sadd.s32 $0x19, s0;
	[sflag:s18] =	ssyncadd.s32 $0xFFFFFF38  }
0x49: {  	[tilespmem:s22], [sflag:$0x3] =	stream.linear.gather [hbm4b:s2+s3], $0xC8, $0x38;
	[tilespmem:$0x1BC20] =	vst v63  }
0x4a: {  	_ =	swait.ge [sflag:s18], $0xC8  }
0x4b: {  	[sflag:s18] =	ssyncset.done $0x0  }
0x4c: {  	[sflag:s18] =	ssyncadd.s32 $0xFFFFFF38  }
0x4d: {  	[tilespmem:s23], [sflag:$0x2] =	stream.indirect.gather [hbm4b:s4+s20], $0x20, s20, s20, $0xb8;
	[tilespmem:$0x1BC20] =	vst v63  }
0x4e: {  	_ =	swait.ge [sflag:s24], $0x1900  }
0x4f: {  	[sflag:s24] =	ssyncset.done $0x0  }
0x50: {  	[sflag:s24] =	ssyncadd.s32 $0xFFFFE700  }
0x51: {  	[spmem:s1] =	stream.indirect.scatter.add.f32 [tilespmem:s21], [sflag:$0x3], $0x20, s19, s20, $0xb8;
	[tilespmem:$0x1BC20] =	vst v63  }
0x52: {  	_ =	swait.ge [sflag:s18], $0x1900  }
0x53: {  	s2 =	sshrl.u32 s28, $0x3;
	[sflag:s18] =	ssyncset.done $0x0  }
0x54: {  	s2 =	sadd.s32 s5, s2;
	[sflag:s18] =	ssyncadd.s32 $0xFFFFE700  }
0x55: {  	[tilespmem:s3], [sflag:$0x3] =	stream.linear.gather [hbm4b:s2+s3], $0xC8, $0x38;
	[tilespmem:$0x1BC20] =	vst v63  }
0x56: {  	_ =	swait.ge [sflag:s18], $0xC8  }
0x57: {  	[sflag:s18] =	ssyncset.done $0x0  }
0x58: {  	s0 =	sadd.s32 $0x32, s0;
	[sflag:s18] =	ssyncadd.s32 $0xFFFFFF38  }
0x59: {  	[tilespmem:s19], [sflag:$0x3] =	stream.linear.gather [hbm4b:s0+s3], $0xC8, $0x38;
	[tilespmem:$0x1BC20] =	vst v63  }
0x5a: {  	_ =	swait.ge [sflag:s18], $0xC8  }
0x5b: {  	[sflag:s18] =	ssyncset.done $0x0  }
0x5c: {  	[sflag:s18] =	ssyncadd.s32 $0xFFFFFF38  }
0x5d: {  	[tilespmem:s21], [sflag:$0x1] =	stream.indirect.gather [hbm4b:s4+s20], $0x20, s3, s20, $0xb8;
	[tilespmem:$0x1BC20] =	vst v63  }
0x5e: {  	_ =	swait.ge [sflag:s25], $0x1900  }
.Ltmp0:
0x5f: {  	[sflag:s25] =	ssyncset.done $0x0;
	(pc) =	sbr.rel @p0 .LBB2_2-.Ltmp0, $4  }
0x60: {  	[sflag:s25] =	ssyncadd.s32 $0xFFFFE700  }
0x61: {  	[spmem:s1] =	stream.indirect.scatter.add.f32 [tilespmem:s23], [sflag:$0x3], $0x20, s22, s20, $0xb8;
	[tilespmem:$0x1BC20] =	vst v63  }
0x62: {  	_ =	swait.ge [sflag:s18], $0x1900  }
0x63: {  	s31 =	smov.u32 s30;
	s28 =	sadd.s32 $0x190, s28;
	[sflag:s18] =	ssyncset.done $0x0  }
0x64: {  	s0 =	sadd.s32 s29, s16;
	[sflag:s18] =	ssyncadd.s32 $0xFFFFE700  }
0x65: {  	[tilespmem:s20], [sflag:$0x3] =	stream.linear.gather [hbm4b:s0+s3], $0xC8, $0x38;
	[tilespmem:$0x1BC20] =	vst v63  }
0x66: {  	_ =	swait.ge [sflag:s18], $0xC8  }
0x67: {  	s30 =	sadd.s32 s29, s14;
	[sflag:s18] =	ssyncset.done $0x0  }
0x68: {  	s2 =	sadd.s32 $0x19, s30;
	[sflag:s18] =	ssyncadd.s32 $0xFFFFFF38  }
0x69: {  	[tilespmem:s22], [sflag:$0x3] =	stream.linear.gather [hbm4b:s2+s3], $0xC8, $0x38;
	[tilespmem:$0x1BC20] =	vst v63  }
0x6a: {  	_ =	swait.ge [sflag:s18], $0xC8  }
0x6b: {  	[sflag:s18] =	ssyncset.done $0x0  }
0x6c: {  	[sflag:s18] =	ssyncadd.s32 $0xFFFFFF38  }
0x6d: {  	[tilespmem:s23], [sflag:$0x2] =	stream.indirect.gather [hbm4b:s4+s20], $0x20, s20, s20, $0xb8;
	[tilespmem:$0x1BC20] =	vst v63  }
0x6e: {  	_ =	swait.ge [sflag:s24], $0x1900  }
0x6f: {  	[sflag:s24] =	ssyncset.done $0x0  }
0x70: {  	[sflag:s24] =	ssyncadd.s32 $0xFFFFE700  }
0x71: {  	[spmem:s1] =	stream.indirect.scatter.add.f32 [tilespmem:s21], [sflag:$0x3], $0x20, s19, s20, $0xb8;
	[tilespmem:$0x1BC20] =	vst v63  }
0x72: {  	_ =	swait.ge [sflag:s18], $0x1900  }
0x73: {  	s31 =	sshrl.u32 s28, $0x3;
	[sflag:s18] =	ssyncset.done $0x0  }
0x74: {  	s2 =	sadd.s32 s5, s31;
	[sflag:s18] =	ssyncadd.s32 $0xFFFFE700  }
0x75: {  	[tilespmem:s3], [sflag:$0x3] =	stream.linear.gather [hbm4b:s2+s3], $0xC8, $0x38;
	[tilespmem:$0x1BC20] =	vst v63  }
0x76: {  	_ =	swait.ge [sflag:s18], $0xC8  }
0x77: {  	[sflag:s18] =	ssyncset.done $0x0  }
0x78: {  	s0 =	sadd.s32 $0x32, s30;
	[sflag:s18] =	ssyncadd.s32 $0xFFFFFF38  }
0x79: {  	[tilespmem:s19], [sflag:$0x3] =	stream.linear.gather [hbm4b:s0+s3], $0xC8, $0x38;
	[tilespmem:$0x1BC20] =	vst v63  }
0x7a: {  	_ =	swait.ge [sflag:s18], $0xC8  }
0x7b: {  	[sflag:s18] =	ssyncset.done $0x0  }
0x7c: {  	[sflag:s18] =	ssyncadd.s32 $0xFFFFFF38  }
0x7d: {  	[tilespmem:s21], [sflag:$0x1] =	stream.indirect.gather [hbm4b:s4+s20], $0x20, s3, s20, $0xb8;
	[tilespmem:$0x1BC20] =	vst v63  }
0x7e: {  	_ =	swait.ge [sflag:s25], $0x1900  }
0x7f: {  	[sflag:s25] =	ssyncset.done $0x0  }
0x80: {  	[sflag:s25] =	ssyncadd.s32 $0xFFFFE700  }
0x81: {  	[spmem:s1] =	stream.indirect.scatter.add.f32 [tilespmem:s23], [sflag:$0x3], $0x20, s22, s20, $0xb8;
	[tilespmem:$0x1BC20] =	vst v63  }
0x82: {  	_ =	swait.ge [sflag:s18], $0x1900  }
0x83: {  	[sflag:s18] =	ssyncset.done $0x0  }
0x84: {  	[sflag:s18] =	ssyncadd.s32 $0xFFFFE700  }
0x85: {  	[tilespmem:s20], [sflag:$0x3] =	stream.linear.gather [hbm4b:s12+s3], $0xC8, $0x38;
	[tilespmem:$0x1BC20] =	vst v63  }
0x86: {  	_ =	swait.ge [sflag:s18], $0xC8  }
0x87: {  	[sflag:s18] =	ssyncset.done $0x0  }
0x88: {  	[sflag:s18] =	ssyncadd.s32 $0xFFFFFF38  }
0x89: {  	[tilespmem:s22], [sflag:$0x3] =	stream.linear.gather [hbm4b:s13+s3], $0xC8, $0x38;
	[tilespmem:$0x1BC20] =	vst v63  }
0x8a: {  	_ =	swait.ge [sflag:s18], $0xC8  }
0x8b: {  	[sflag:s18] =	ssyncset.done $0x0  }
0x8c: {  	[sflag:s18] =	ssyncadd.s32 $0xFFFFFF38  }
0x8d: {  	[tilespmem:s23], [sflag:$0x2] =	stream.indirect.gather [hbm4b:s4+s20], $0x20, s20, s20, $0xb8;
	[tilespmem:$0x1BC20] =	vst v63  }
0x8e: {  	_ =	swait.ge [sflag:s24], $0x1900  }
0x8f: {  	[sflag:s24] =	ssyncset.done $0x0  }
0x90: {  	[sflag:s24] =	ssyncadd.s32 $0xFFFFE700  }
0x91: {  	[spmem:s1] =	stream.indirect.scatter.add.f32 [tilespmem:s21], [sflag:$0x3], $0x20, s19, s20, $0xb8;
	[tilespmem:$0x1BC20] =	vst v63  }
0x92: {  	_ =	swait.ge [sflag:s18], $0x1900  }
0x93: {  	[sflag:s18] =	ssyncset.done $0x0  }
0x94: {  	[sflag:s18] =	ssyncadd.s32 $0xFFFFE700  }
0x95: {  	_ =	swait.ge [sflag:s25], $0x1900  }
0x96: {  	[sflag:s25] =	ssyncset.done $0x0  }
0x97: {  	[sflag:s25] =	ssyncadd.s32 $0xFFFFE700  }
0x98: {  	[spmem:s1] =	stream.indirect.scatter.add.f32 [tilespmem:s23], [sflag:$0x3], $0x20, s22, s20, $0xb8;
	[tilespmem:$0x1BC20] =	vst v63  }
0x99: {  	_ =	swait.ge [sflag:s18], $0x1900  }
0x9a: {  	s26 =	sadd.s32 $0x1, s26;
	[sflag:s18] =	ssyncset.done $0x0  }
0x9b: {  	p0 =	sne.s32 s26, s11;
	[sflag:s18] =	ssyncadd.s32 $0xFFFFE700  }
.Ltmp1:
0x9c: {  	[bflag:$0x0] =	sbarrier.arrive $0xFFFF;
	(pc) =	sbr.rel @p0 .LBB2_1-.Ltmp1, $4  }
0x9d: {  	[hbm:s10], [sflag:s7] =	dma.local [spmem:s17], $0x30E0  }
0x9e: {  	_ =	swait.ge [sflag:s18], $0x30E0  }
0x9f: {  	[sflag:s18] =	ssyncset.done $0x0  }
0xa0: {  	[sflag:s18] =	ssyncadd.s32 $0xFFFFCF20  }
0xa1: {  	_ =	sfence.sel $0x180000  }
0xa2: {  	[bflag:$0x0] =	sbarrier.arrive $0xFFFF  }
0xa3: {  	_ =	strace $0x90000050  }
0xa4: {  	s0 =	stileid.u32;
	[bflag:$0x2] =	sbarrier.arrive $0xFFFF  }
0xa5: {  	p0 =	sne.s32 s0, $0x0;
	s0 =	rddreg [dreg:$0x2]  }
0xa6: {  	s0 =	sadd.s32 @!p0 $0x100000, s0  }
0xa7: {  	[sflag:s0] =	ssyncadd.tile.s32 @!p0 $0x1;
	_ =	shalt  }
.Lfunc_end2:
_tile_overlayer_lowered:
.L_overlay_start_2:
0xa8: {  	(tag) =	ssettag $0x2  }
0xa9: {  	s0 =	rddreg [dreg:$0x0];
	s2 =	stileid.u32  }
0xaa: {  	s1 =	rddreg [dreg:$0x1];
	p0 =	sne.s32 s2, $0x0  }
0xab: {  	s3 =	rddreg [dreg:$0x2];
	[bflag:$0x3] =	sbarrier.arrive $0xFFFF;
	s2 =	simm.s32 @!p0 $0x1C03  }
0xac: {  	[timem:s3], [sflag:s2] =	dma.local @!p0 [hbm:s0], s1  }
0xad: {  	s0 =	simm.s32 @!p0 $0x3  }
0xae: {  	_ =	swait.ge @!p0 [sflag:s0], s1  }
0xaf: {  	s1 =	ssub.s32 @!p0 $0x0, s1;
	[sflag:s0] =	ssyncset.done @!p0 $0x0  }
0xb0: {  	[sflag:s0] =	ssyncadd.s32 @!p0 s1  }
0xb1: {  	[bflag:$0x3] =	sbarrier.arrive $0xFFFF  }
0xb2: {  	_ =	shalt  }

</sc_bundles>
